<compile_context>
chip_gen: v7x
topology: tpu7x:2x2x1
jax: 0.10.2.dev20260603
libtpu: 0.0.44.dev20260713+nightly
codegen_flags: <defaults>
</compile_context>

<pallas_src>
import functools
import math

import jax
import jax.numpy as jnp
from jax.experimental import pallas as pl

N_RES = 16384
N_ATOMS = 131072
PAD = 32
ACD = 16
ATD = 8
RCD = 32
RID = 32
MAXSEQ = 2048
AC_VOCAB = 38
AT_VOCAB = 6
RC_VOCAB = 22
MUL_OUT_V = 64
SCAL_OUT = 256
SCAL_IN = PAD * ACD + PAD * ATD + RCD + RID

_B = 256
_CT_W = 64


def _embed_kernel(codes_ref, types_ref, mask_ref, rel0_ref, rel1_ref, rel2_ref,
                  rc_ref, ri_ref, ta_ref, trc_ref, tri_ref, wv_ref,
                  vec_ref, scal_ref):
    mask = mask_ref[...]
    codes = codes_ref[...]
    types = types_ref[...]

    oh_rc = (jax.lax.broadcasted_iota(jnp.int32, (_B, RC_VOCAB), 1)
             == rc_ref[...]).astype(jnp.float32)
    oh_ri = (jax.lax.broadcasted_iota(jnp.int32, (_B, MAXSEQ), 1)
             == ri_ref[...]).astype(jnp.float32)
    scal = jnp.dot(oh_rc, trc_ref[...], preferred_element_type=jnp.float32)
    scal += jnp.dot(oh_ri, tri_ref[...], preferred_element_type=jnp.float32)

    iota64 = jax.lax.broadcasted_iota(jnp.int32, (_B, _CT_W), 1)
    for p in range(PAD):
        m = mask[:, p:p + 1]
        oh = jnp.logical_or(iota64 == codes[:, p:p + 1],
                            iota64 == types[:, p:p + 1] + AC_VOCAB)
        oh = oh.astype(jnp.float32) * m
        scal += jnp.dot(oh, ta_ref[p * _CT_W:(p + 1) * _CT_W, :],
                        preferred_element_type=jnp.float32)
    scal_ref[...] = scal

    wv = wv_ref[...]
    v0 = jnp.dot(rel0_ref[...], wv, preferred_element_type=jnp.float32)
    v1 = jnp.dot(rel1_ref[...], wv, preferred_element_type=jnp.float32)
    v2 = jnp.dot(rel2_ref[...], wv, preferred_element_type=jnp.float32)
    vec_ref[...] = jnp.concatenate([v0, v1, v2], axis=1)


@functools.partial(jax.jit, donate_argnums=())
def kernel(residue_base_coords, residue_index, residue_index_atomwise,
           residue_relative_coords, atom_code_index, atom_type_index,
           residue_code_index, residue_sequence_index,
           atom_code_table, atom_type_table, residue_code_table,
           residue_index_table, W_vec, W_scal):
    rid = residue_index_atomwise
    res_ids = jnp.arange(N_RES, dtype=rid.dtype)
    starts = jnp.searchsorted(rid, res_ids, side='left').astype(jnp.int32)
    ends = jnp.searchsorted(rid, res_ids, side='right').astype(jnp.int32)
    counts = ends - starts

    slot = jnp.arange(PAD, dtype=jnp.int32)
    gidx = jnp.minimum(starts[:, None] + slot[None, :], N_ATOMS - 1)
    mask = (slot[None, :] < counts[:, None])
    maskf = mask.astype(jnp.float32)

    codes_p = jnp.take(atom_code_index, gidx, axis=0)
    types_p = jnp.take(atom_type_index, gidx, axis=0)
    rel_p = jnp.take(residue_relative_coords, gidx.reshape(-1), axis=0)
    rel_p = rel_p.reshape(N_RES, PAD, 3) * maskf[..., None]
    rel0, rel1, rel2 = rel_p[..., 0], rel_p[..., 1], rel_p[..., 2]

    inv_s = 1.0 / math.sqrt(float(SCAL_IN))
    wa = W_scal[:PAD * ACD].reshape(PAD, ACD, SCAL_OUT)
    ta_pco = jnp.einsum('cd,pdo->pco', atom_code_table, wa) * inv_s
    wt = W_scal[PAD * ACD:PAD * ACD + PAD * ATD].reshape(PAD, ATD, SCAL_OUT)
    tt_pco = jnp.einsum('cd,pdo->pco', atom_type_table, wt) * inv_s
    pad_rows = jnp.zeros((PAD, _CT_W - AC_VOCAB - AT_VOCAB, SCAL_OUT), jnp.float32)
    ta = jnp.concatenate([ta_pco, tt_pco, pad_rows], axis=1).reshape(PAD * _CT_W, SCAL_OUT)
    off = PAD * ACD + PAD * ATD
    trc = residue_code_table @ W_scal[off:off + RCD] * inv_s
    tri = residue_index_table @ W_scal[off + RCD:] * inv_s
    wv = W_vec / math.sqrt(float(PAD))

    rc2 = residue_code_index.reshape(N_RES, 1).astype(jnp.int32)
    ri2 = residue_sequence_index.reshape(N_RES, 1).astype(jnp.int32)

    grid = (N_RES // _B,)
    row = lambda i: (i, 0)
    rep = lambda i: (0, 0)
    vec3, out_scal = pl.pallas_call(
        _embed_kernel,
        grid=grid,
        in_specs=[
            pl.BlockSpec((_B, PAD), row),
            pl.BlockSpec((_B, PAD), row),
            pl.BlockSpec((_B, PAD), row),
            pl.BlockSpec((_B, PAD), row),
            pl.BlockSpec((_B, PAD), row),
            pl.BlockSpec((_B, PAD), row),
            pl.BlockSpec((_B, 1), row),
            pl.BlockSpec((_B, 1), row),
            pl.BlockSpec((PAD * _CT_W, SCAL_OUT), rep),
            pl.BlockSpec((RC_VOCAB, SCAL_OUT), rep),
            pl.BlockSpec((MAXSEQ, SCAL_OUT), rep),
            pl.BlockSpec((PAD, MUL_OUT_V), rep),
        ],
        out_specs=[
            pl.BlockSpec((_B, 3 * MUL_OUT_V), row),
            pl.BlockSpec((_B, SCAL_OUT), row),
        ],
        out_shape=[
            jax.ShapeDtypeStruct((N_RES, 3 * MUL_OUT_V), jnp.float32),
            jax.ShapeDtypeStruct((N_RES, SCAL_OUT), jnp.float32),
        ],
    )(codes_p, types_p, maskf, rel0, rel1, rel2, rc2, ri2,
      ta, trc, tri, wv)

    out_vec = vec3.reshape(N_RES, 3, MUL_OUT_V).transpose(0, 2, 1).reshape(N_RES, -1)
    features = jnp.concatenate([out_vec, out_scal], axis=-1)
    return (residue_base_coords, features)

# --- scband reference (transcript-rebuilt; emitter-appended) ---
"""Pipeline reference for scband-initial-residue-embedding-71554155151991 (READ-ONLY COPY).

The authoritative reference and input builder live on the scoring server;
editing this copy changes nothing except your own understanding.
"""

import jax, jax.numpy as jnp
import numpy as np

N_RES = 16384
N_ATOMS = 131072
PAD = 32
ACD = 16
ATD = 8
RCD = 32
RID = 32
MAXSEQ = 2048
AC_VOCAB = 38
AT_VOCAB = 6
RC_VOCAB = 22
MUL_OUT_V = 64
SCAL_OUT = 256
SCAL_IN = PAD * ACD + PAD * ATD + RCD + RID  # 832


def setup_inputs(seed: int = 0) -> dict:
    key = jax.random.key(seed)
    ks = jax.random.split(key, 14)
    inp = {}
    inp['residue_base_coords'] = jax.random.normal(ks[0], (N_RES, 3), dtype=jnp.float32)
    inp['residue_index'] = jnp.arange(N_RES, dtype=jnp.int32)
    inp['residue_index_atomwise'] = jnp.sort(jax.random.randint(ks[1], (N_ATOMS,), 0, N_RES, dtype=jnp.int32))
    inp['residue_relative_coords'] = jax.random.normal(ks[2], (N_ATOMS, 3), dtype=jnp.float32)
    inp['atom_code_index'] = jax.random.randint(ks[3], (N_ATOMS,), 0, AC_VOCAB, dtype=jnp.int32)
    inp['atom_type_index'] = jax.random.randint(ks[4], (N_ATOMS,), 0, AT_VOCAB, dtype=jnp.int32)
    inp['residue_code_index'] = jax.random.randint(ks[5], (N_RES,), 0, RC_VOCAB, dtype=jnp.int32)
    inp['residue_sequence_index'] = jax.random.randint(ks[6], (N_RES,), 0, MAXSEQ, dtype=jnp.int32)
    # learned parameters
    inp['atom_code_table'] = jax.random.normal(ks[7], (AC_VOCAB, ACD), dtype=jnp.float32)
    inp['atom_type_table'] = jax.random.normal(ks[8], (AT_VOCAB, ATD), dtype=jnp.float32)
    inp['residue_code_table'] = jax.random.normal(ks[9], (RC_VOCAB, RCD), dtype=jnp.float32)
    inp['residue_index_table'] = jax.random.normal(ks[10], (MAXSEQ, RID), dtype=jnp.float32)
    inp['W_vec'] = jax.random.normal(ks[11], (PAD, MUL_OUT_V), dtype=jnp.float32)
    inp['W_scal'] = jax.random.normal(ks[12], (SCAL_IN, SCAL_OUT), dtype=jnp.float32)
    return inp


def reference(residue_base_coords, residue_index, residue_index_atomwise,
              residue_relative_coords, atom_code_index, atom_type_index,
              residue_code_index, residue_sequence_index,
              atom_code_table, atom_type_table, residue_code_table,
              residue_index_table, W_vec, W_scal):
    # Vectorized equivalent of the per-residue padding loop.
    rid = residue_index_atomwise
    counts = jnp.bincount(rid, length=N_RES)
    starts = jnp.cumsum(counts) - counts
    pos = jnp.arange(N_ATOMS) - starts[rid]
    valid = pos < PAD
    pos_c = jnp.minimum(pos, PAD - 1)

    rel_padded = jnp.zeros((N_RES, PAD, 3), dtype=residue_relative_coords.dtype)
    rel_padded = rel_padded.at[rid, pos_c].add(jnp.where(valid[:, None], residue_relative_coords, 0.0))
    codes_padded = jnp.zeros((N_RES, PAD), dtype=jnp.int32)
    codes_padded = codes_padded.at[rid, pos_c].add(jnp.where(valid, atom_code_index, 0))
    types_padded = jnp.zeros((N_RES, PAD), dtype=jnp.int32)
    types_padded = types_padded.at[rid, pos_c].add(jnp.where(valid, atom_type_index, 0))

    mask = (jnp.arange(PAD)[None, :] < jnp.minimum(counts, PAD)[:, None])

    ac_emb = jnp.take(atom_code_table, codes_padded, axis=0) * mask[..., None]
    ac_emb = ac_emb.reshape(N_RES, -1)
    at_emb = jnp.take(atom_type_table, types_padded, axis=0) * mask[..., None]
    at_emb = at_emb.reshape(N_RES, -1)
    rc_emb = jnp.take(residue_code_table, residue_code_index, axis=0)
    ri_emb = jnp.take(residue_index_table, residue_sequence_index, axis=0)

    scalars = jnp.concatenate([ac_emb, at_emb, rc_emb, ri_emb], axis=-1)

    # e3nn o3.Linear equivalent: 1e vectors mix among multiplicities (shared over 3
    # components, no bias), 0e scalars mix via dense matmul (no bias); both with
    # 1/sqrt(fan_in) path normalization.
    out_vec = jnp.einsum('npi,pm->nmi', rel_padded, W_vec) / jnp.sqrt(float(PAD))
    out_scal = (scalars @ W_scal) / jnp.sqrt(float(SCAL_IN))
    features = jnp.concatenate([out_vec.reshape(N_RES, -1), out_scal], axis=-1)
    return (residue_base_coords, features)

if __name__ == "__main__":
    import jax
    _d = setup_inputs()
    print(jax.jit(kernel)(*tuple(_d.values())))

</pallas_src>

<mosaic_0001>
module attributes {stable_mosaic.version = 14 : i64} {
  func.func @_embed_kernel(%arg0: i32, %arg1: memref<256x32xi32, #tpu.memory_space<vmem>>, %arg2: memref<256x32xi32, #tpu.memory_space<vmem>>, %arg3: memref<256x32xf32, #tpu.memory_space<vmem>>, %arg4: memref<256x32xf32, #tpu.memory_space<vmem>>, %arg5: memref<256x32xf32, #tpu.memory_space<vmem>>, %arg6: memref<256x32xf32, #tpu.memory_space<vmem>>, %arg7: memref<256x1xi32, #tpu.memory_space<vmem>>, %arg8: memref<256x1xi32, #tpu.memory_space<vmem>>, %arg9: memref<2048x256xf32, #tpu.memory_space<vmem>>, %arg10: memref<22x256xf32, #tpu.memory_space<vmem>>, %arg11: memref<2048x256xf32, #tpu.memory_space<vmem>>, %arg12: memref<32x64xf32, #tpu.memory_space<vmem>>, %arg13: memref<256x192xf32, #tpu.memory_space<vmem>>, %arg14: memref<256x256xf32, #tpu.memory_space<vmem>>) attributes {dimension_semantics = [#tpu.dimension_semantics<arbitrary>], iteration_bounds = array<i64: 64>, scalar_prefetch = 0 : i64, scratch_operands = 0 : i64, tpu.core_type = #tpu.core_type<tc>, window_params = [{transform_indices = @transform_0, window_bounds = array<i64: 256, 32>}, {transform_indices = @transform_1, window_bounds = array<i64: 256, 32>}, {transform_indices = @transform_2, window_bounds = array<i64: 256, 32>}, {transform_indices = @transform_3, window_bounds = array<i64: 256, 32>}, {transform_indices = @transform_4, window_bounds = array<i64: 256, 32>}, {transform_indices = @transform_5, window_bounds = array<i64: 256, 32>}, {transform_indices = @transform_6, window_bounds = array<i64: 256, 1>}, {transform_indices = @transform_7, window_bounds = array<i64: 256, 1>}, {pipeline_mode = #tpu.pipeline_mode<synchronous>, transform_indices = @transform_8, window_bounds = array<i64: 2048, 256>}, {pipeline_mode = #tpu.pipeline_mode<synchronous>, transform_indices = @transform_9, window_bounds = array<i64: 22, 256>}, {pipeline_mode = #tpu.pipeline_mode<synchronous>, transform_indices = @transform_10, window_bounds = array<i64: 2048, 256>}, {pipeline_mode = #tpu.pipeline_mode<synchronous>, transform_indices = @transform_11, window_bounds = array<i64: 32, 64>}, {transform_indices = @transform_12, window_bounds = array<i64: 256, 192>}, {transform_indices = @transform_13, window_bounds = array<i64: 256, 256>}]} {
    %get3A = arith.constant 0 : index
    %get3A_0 = arith.constant 0 : index
    %get3A_1 = vector.load %arg3[%get3A, %get3A_0] : memref<256x32xf32, #tpu.memory_space<vmem>>, vector<256x32xf32>
    %get3A_2 = arith.constant 0 : index
    %get3A_3 = arith.constant 0 : index
    %get3A_4 = vector.load %arg1[%get3A_2, %get3A_3] : memref<256x32xi32, #tpu.memory_space<vmem>>, vector<256x32xi32>
    %get3A_5 = arith.constant 0 : index
    %get3A_6 = arith.constant 0 : index
    %get3A_7 = vector.load %arg2[%get3A_5, %get3A_6] : memref<256x32xi32, #tpu.memory_space<vmem>>, vector<256x32xi32>
    %iota3A = tpu.iota {dimensions = array<i32: 1>} : vector<256x22xi32>
    %get3A_8 = arith.constant 0 : index
    %get3A_9 = arith.constant 0 : index
    %get3A_10 = vector.load %arg7[%get3A_8, %get3A_9] : memref<256x1xi32, #tpu.memory_space<vmem>>, vector<256x1xi32>
    %eq3A = vector.broadcast %get3A_10 : vector<256x1xi32> to vector<256x22xi32>
    %eq3A_11 = arith.cmpi eq, %iota3A, %eq3A : vector<256x22xi32>
    %convert_element_type3A = arith.extui %eq3A_11 : vector<256x22xi1> to vector<256x22xi32>
    %convert_element_type3A_12 = arith.sitofp %convert_element_type3A : vector<256x22xi32> to vector<256x22xf32>
    %iota3A_13 = tpu.iota {dimensions = array<i32: 1>} : vector<256x2048xi32>
    %get3A_14 = arith.constant 0 : index
    %get3A_15 = arith.constant 0 : index
    %get3A_16 = vector.load %arg8[%get3A_14, %get3A_15] : memref<256x1xi32, #tpu.memory_space<vmem>>, vector<256x1xi32>
    %eq3A_17 = vector.broadcast %get3A_16 : vector<256x1xi32> to vector<256x2048xi32>
    %eq3A_18 = arith.cmpi eq, %iota3A_13, %eq3A_17 : vector<256x2048xi32>
    %convert_element_type3A_19 = arith.extui %eq3A_18 : vector<256x2048xi1> to vector<256x2048xi32>
    %convert_element_type3A_20 = arith.sitofp %convert_element_type3A_19 : vector<256x2048xi32> to vector<256x2048xf32>
    %get3A_21 = arith.constant 0 : index
    %get3A_22 = arith.constant 0 : index
    %get3A_23 = vector.load %arg10[%get3A_21, %get3A_22] : memref<22x256xf32, #tpu.memory_space<vmem>>, vector<22x256xf32>
    %dot_general3A = arith.constant dense<0.000000e+00> : vector<256x256xf32>
    %dot_general3A_24 = tpu.matmul %convert_element_type3A_12, %get3A_23, %dot_general3A {dimension_numbers = #tpu.dot_dimension_numbers<[1], [0], [0], [1], [0, 0, 1, 1], [], []>, transpose_lhs_hint = false} : vector<256x22xf32>, vector<22x256xf32>, vector<256x256xf32> -> vector<256x256xf32>
    %get3A_25 = arith.constant 0 : index
    %get3A_26 = arith.constant 0 : index
    %get3A_27 = vector.load %arg11[%get3A_25, %get3A_26] : memref<2048x256xf32, #tpu.memory_space<vmem>>, vector<2048x256xf32>
    %dot_general3A_28 = arith.constant dense<0.000000e+00> : vector<256x256xf32>
    %dot_general3A_29 = tpu.matmul %convert_element_type3A_20, %get3A_27, %dot_general3A_28 {dimension_numbers = #tpu.dot_dimension_numbers<[1], [0], [0], [1], [0, 0, 1, 1], [], []>, transpose_lhs_hint = false} : vector<256x2048xf32>, vector<2048x256xf32>, vector<256x256xf32> -> vector<256x256xf32>
    %add3A = arith.addf %dot_general3A_24, %dot_general3A_29 : vector<256x256xf32>
    %iota3A_30 = tpu.iota {dimensions = array<i32: 1>} : vector<256x64xi32>
    %slice3A = vector.extract_strided_slice %get3A_1 {offsets = [0, 0], sizes = [256, 1], strides = [1, 1]} : vector<256x32xf32> to vector<256x1xf32>
    %slice3A_31 = vector.extract_strided_slice %get3A_4 {offsets = [0, 0], sizes = [256, 1], strides = [1, 1]} : vector<256x32xi32> to vector<256x1xi32>
    %eq3A_32 = vector.broadcast %slice3A_31 : vector<256x1xi32> to vector<256x64xi32>
    %eq3A_33 = arith.cmpi eq, %iota3A_30, %eq3A_32 : vector<256x64xi32>
    %slice3A_34 = vector.extract_strided_slice %get3A_7 {offsets = [0, 0], sizes = [256, 1], strides = [1, 1]} : vector<256x32xi32> to vector<256x1xi32>
    %add3A_35 = arith.constant 38 : i32
    %add3A_36 = vector.broadcast %add3A_35 : i32 to vector<256x1xi32>
    %add3A_37 = arith.addi %slice3A_34, %add3A_36 : vector<256x1xi32>
    %eq3A_38 = vector.broadcast %add3A_37 : vector<256x1xi32> to vector<256x64xi32>
    %eq3A_39 = arith.cmpi eq, %iota3A_30, %eq3A_38 : vector<256x64xi32>
    %or3A = arith.ori %eq3A_33, %eq3A_39 : vector<256x64xi1>
    %convert_element_type3A_40 = arith.extui %or3A : vector<256x64xi1> to vector<256x64xi32>
    %convert_element_type3A_41 = arith.sitofp %convert_element_type3A_40 : vector<256x64xi32> to vector<256x64xf32>
    %mul3A = vector.broadcast %slice3A : vector<256x1xf32> to vector<256x64xf32>
    %mul3A_42 = arith.mulf %convert_element_type3A_41, %mul3A : vector<256x64xf32>
    %get3A_43 = arith.constant 0 : index
    %get3A_44 = arith.constant 0 : index
    %get3A_45 = vector.load %arg9[%get3A_43, %get3A_44] : memref<2048x256xf32, #tpu.memory_space<vmem>>, vector<64x256xf32>
    %dot_general3A_46 = arith.constant dense<0.000000e+00> : vector<256x256xf32>
    %dot_general3A_47 = tpu.matmul %mul3A_42, %get3A_45, %dot_general3A_46 {dimension_numbers = #tpu.dot_dimension_numbers<[1], [0], [0], [1], [0, 0, 1, 1], [], []>, transpose_lhs_hint = false} : vector<256x64xf32>, vector<64x256xf32>, vector<256x256xf32> -> vector<256x256xf32>
    %add3A_48 = arith.addf %add3A, %dot_general3A_47 : vector<256x256xf32>
    %slice3A_49 = vector.extract_strided_slice %get3A_1 {offsets = [0, 1], sizes = [256, 1], strides = [1, 1]} : vector<256x32xf32> to vector<256x1xf32>
    %slice3A_50 = vector.extract_strided_slice %get3A_4 {offsets = [0, 1], sizes = [256, 1], strides = [1, 1]} : vector<256x32xi32> to vector<256x1xi32>
    %eq3A_51 = vector.broadcast %slice3A_50 : vector<256x1xi32> to vector<256x64xi32>
    %eq3A_52 = arith.cmpi eq, %iota3A_30, %eq3A_51 : vector<256x64xi32>
    %slice3A_53 = vector.extract_strided_slice %get3A_7 {offsets = [0, 1], sizes = [256, 1], strides = [1, 1]} : vector<256x32xi32> to vector<256x1xi32>
    %add3A_54 = arith.constant 38 : i32
    %add3A_55 = vector.broadcast %add3A_54 : i32 to vector<256x1xi32>
    %add3A_56 = arith.addi %slice3A_53, %add3A_55 : vector<256x1xi32>
    %eq3A_57 = vector.broadcast %add3A_56 : vector<256x1xi32> to vector<256x64xi32>
    %eq3A_58 = arith.cmpi eq, %iota3A_30, %eq3A_57 : vector<256x64xi32>
    %or3A_59 = arith.ori %eq3A_52, %eq3A_58 : vector<256x64xi1>
    %convert_element_type3A_60 = arith.extui %or3A_59 : vector<256x64xi1> to vector<256x64xi32>
    %convert_element_type3A_61 = arith.sitofp %convert_element_type3A_60 : vector<256x64xi32> to vector<256x64xf32>
    %mul3A_62 = vector.broadcast %slice3A_49 : vector<256x1xf32> to vector<256x64xf32>
    %mul3A_63 = arith.mulf %convert_element_type3A_61, %mul3A_62 : vector<256x64xf32>
    %get3A_64 = arith.constant 64 : index
    %get3A_65 = arith.constant 0 : index
    %get3A_66 = vector.load %arg9[%get3A_64, %get3A_65] : memref<2048x256xf32, #tpu.memory_space<vmem>>, vector<64x256xf32>
    %dot_general3A_67 = arith.constant dense<0.000000e+00> : vector<256x256xf32>
    %dot_general3A_68 = tpu.matmul %mul3A_63, %get3A_66, %dot_general3A_67 {dimension_numbers = #tpu.dot_dimension_numbers<[1], [0], [0], [1], [0, 0, 1, 1], [], []>, transpose_lhs_hint = false} : vector<256x64xf32>, vector<64x256xf32>, vector<256x256xf32> -> vector<256x256xf32>
    %add3A_69 = arith.addf %add3A_48, %dot_general3A_68 : vector<256x256xf32>
    %slice3A_70 = vector.extract_strided_slice %get3A_1 {offsets = [0, 2], sizes = [256, 1], strides = [1, 1]} : vector<256x32xf32> to vector<256x1xf32>
    %slice3A_71 = vector.extract_strided_slice %get3A_4 {offsets = [0, 2], sizes = [256, 1], strides = [1, 1]} : vector<256x32xi32> to vector<256x1xi32>
    %eq3A_72 = vector.broadcast %slice3A_71 : vector<256x1xi32> to vector<256x64xi32>
    %eq3A_73 = arith.cmpi eq, %iota3A_30, %eq3A_72 : vector<256x64xi32>
    %slice3A_74 = vector.extract_strided_slice %get3A_7 {offsets = [0, 2], sizes = [256, 1], strides = [1, 1]} : vector<256x32xi32> to vector<256x1xi32>
    %add3A_75 = arith.constant 38 : i32
    %add3A_76 = vector.broadcast %add3A_75 : i32 to vector<256x1xi32>
    %add3A_77 = arith.addi %slice3A_74, %add3A_76 : vector<256x1xi32>
    %eq3A_78 = vector.broadcast %add3A_77 : vector<256x1xi32> to vector<256x64xi32>
    %eq3A_79 = arith.cmpi eq, %iota3A_30, %eq3A_78 : vector<256x64xi32>
    %or3A_80 = arith.ori %eq3A_73, %eq3A_79 : vector<256x64xi1>
    %convert_element_type3A_81 = arith.extui %or3A_80 : vector<256x64xi1> to vector<256x64xi32>
    %convert_element_type3A_82 = arith.sitofp %convert_element_type3A_81 : vector<256x64xi32> to vector<256x64xf32>
    %mul3A_83 = vector.broadcast %slice3A_70 : vector<256x1xf32> to vector<256x64xf32>
    %mul3A_84 = arith.mulf %convert_element_type3A_82, %mul3A_83 : vector<256x64xf32>
    %get3A_85 = arith.constant 128 : index
    %get3A_86 = arith.constant 0 : index
    %get3A_87 = vector.load %arg9[%get3A_85, %get3A_86] : memref<2048x256xf32, #tpu.memory_space<vmem>>, vector<64x256xf32>
    %dot_general3A_88 = arith.constant dense<0.000000e+00> : vector<256x256xf32>
    %dot_general3A_89 = tpu.matmul %mul3A_84, %get3A_87, %dot_general3A_88 {dimension_numbers = #tpu.dot_dimension_numbers<[1], [0], [0], [1], [0, 0, 1, 1], [], []>, transpose_lhs_hint = false} : vector<256x64xf32>, vector<64x256xf32>, vector<256x256xf32> -> vector<256x256xf32>
    %add3A_90 = arith.addf %add3A_69, %dot_general3A_89 : vector<256x256xf32>
    %slice3A_91 = vector.extract_strided_slice %get3A_1 {offsets = [0, 3], sizes = [256, 1], strides = [1, 1]} : vector<256x32xf32> to vector<256x1xf32>
    %slice3A_92 = vector.extract_strided_slice %get3A_4 {offsets = [0, 3], sizes = [256, 1], strides = [1, 1]} : vector<256x32xi32> to vector<256x1xi32>
    %eq3A_93 = vector.broadcast %slice3A_92 : vector<256x1xi32> to vector<256x64xi32>
    %eq3A_94 = arith.cmpi eq, %iota3A_30, %eq3A_93 : vector<256x64xi32>
    %slice3A_95 = vector.extract_strided_slice %get3A_7 {offsets = [0, 3], sizes = [256, 1], strides = [1, 1]} : vector<256x32xi32> to vector<256x1xi32>
    %add3A_96 = arith.constant 38 : i32
    %add3A_97 = vector.broadcast %add3A_96 : i32 to vector<256x1xi32>
    %add3A_98 = arith.addi %slice3A_95, %add3A_97 : vector<256x1xi32>
    %eq3A_99 = vector.broadcast %add3A_98 : vector<256x1xi32> to vector<256x64xi32>
    %eq3A_100 = arith.cmpi eq, %iota3A_30, %eq3A_99 : vector<256x64xi32>
    %or3A_101 = arith.ori %eq3A_94, %eq3A_100 : vector<256x64xi1>
    %convert_element_type3A_102 = arith.extui %or3A_101 : vector<256x64xi1> to vector<256x64xi32>
    %convert_element_type3A_103 = arith.sitofp %convert_element_type3A_102 : vector<256x64xi32> to vector<256x64xf32>
    %mul3A_104 = vector.broadcast %slice3A_91 : vector<256x1xf32> to vector<256x64xf32>
    %mul3A_105 = arith.mulf %convert_element_type3A_103, %mul3A_104 : vector<256x64xf32>
    %get3A_106 = arith.constant 192 : index
    %get3A_107 = arith.constant 0 : index
    %get3A_108 = vector.load %arg9[%get3A_106, %get3A_107] : memref<2048x256xf32, #tpu.memory_space<vmem>>, vector<64x256xf32>
    %dot_general3A_109 = arith.constant dense<0.000000e+00> : vector<256x256xf32>
    %dot_general3A_110 = tpu.matmul %mul3A_105, %get3A_108, %dot_general3A_109 {dimension_numbers = #tpu.dot_dimension_numbers<[1], [0], [0], [1], [0, 0, 1, 1], [], []>, transpose_lhs_hint = false} : vector<256x64xf32>, vector<64x256xf32>, vector<256x256xf32> -> vector<256x256xf32>
    %add3A_111 = arith.addf %add3A_90, %dot_general3A_110 : vector<256x256xf32>
    %slice3A_112 = vector.extract_strided_slice %get3A_1 {offsets = [0, 4], sizes = [256, 1], strides = [1, 1]} : vector<256x32xf32> to vector<256x1xf32>
    %slice3A_113 = vector.extract_strided_slice %get3A_4 {offsets = [0, 4], sizes = [256, 1], strides = [1, 1]} : vector<256x32xi32> to vector<256x1xi32>
    %eq3A_114 = vector.broadcast %slice3A_113 : vector<256x1xi32> to vector<256x64xi32>
    %eq3A_115 = arith.cmpi eq, %iota3A_30, %eq3A_114 : vector<256x64xi32>
    %slice3A_116 = vector.extract_strided_slice %get3A_7 {offsets = [0, 4], sizes = [256, 1], strides = [1, 1]} : vector<256x32xi32> to vector<256x1xi32>
    %add3A_117 = arith.constant 38 : i32
    %add3A_118 = vector.broadcast %add3A_117 : i32 to vector<256x1xi32>
    %add3A_119 = arith.addi %slice3A_116, %add3A_118 : vector<256x1xi32>
    %eq3A_120 = vector.broadcast %add3A_119 : vector<256x1xi32> to vector<256x64xi32>
    %eq3A_121 = arith.cmpi eq, %iota3A_30, %eq3A_120 : vector<256x64xi32>
    %or3A_122 = arith.ori %eq3A_115, %eq3A_121 : vector<256x64xi1>
    %convert_element_type3A_123 = arith.extui %or3A_122 : vector<256x64xi1> to vector<256x64xi32>
    %convert_element_type3A_124 = arith.sitofp %convert_element_type3A_123 : vector<256x64xi32> to vector<256x64xf32>
    %mul3A_125 = vector.broadcast %slice3A_112 : vector<256x1xf32> to vector<256x64xf32>
    %mul3A_126 = arith.mulf %convert_element_type3A_124, %mul3A_125 : vector<256x64xf32>
    %get3A_127 = arith.constant 256 : index
    %get3A_128 = arith.constant 0 : index
    %get3A_129 = vector.load %arg9[%get3A_127, %get3A_128] : memref<2048x256xf32, #tpu.memory_space<vmem>>, vector<64x256xf32>
    %dot_general3A_130 = arith.constant dense<0.000000e+00> : vector<256x256xf32>
    %dot_general3A_131 = tpu.matmul %mul3A_126, %get3A_129, %dot_general3A_130 {dimension_numbers = #tpu.dot_dimension_numbers<[1], [0], [0], [1], [0, 0, 1, 1], [], []>, transpose_lhs_hint = false} : vector<256x64xf32>, vector<64x256xf32>, vector<256x256xf32> -> vector<256x256xf32>
    %add3A_132 = arith.addf %add3A_111, %dot_general3A_131 : vector<256x256xf32>
    %slice3A_133 = vector.extract_strided_slice %get3A_1 {offsets = [0, 5], sizes = [256, 1], strides = [1, 1]} : vector<256x32xf32> to vector<256x1xf32>
    %slice3A_134 = vector.extract_strided_slice %get3A_4 {offsets = [0, 5], sizes = [256, 1], strides = [1, 1]} : vector<256x32xi32> to vector<256x1xi32>
    %eq3A_135 = vector.broadcast %slice3A_134 : vector<256x1xi32> to vector<256x64xi32>
    %eq3A_136 = arith.cmpi eq, %iota3A_30, %eq3A_135 : vector<256x64xi32>
    %slice3A_137 = vector.extract_strided_slice %get3A_7 {offsets = [0, 5], sizes = [256, 1], strides = [1, 1]} : vector<256x32xi32> to vector<256x1xi32>
    %add3A_138 = arith.constant 38 : i32
    %add3A_139 = vector.broadcast %add3A_138 : i32 to vector<256x1xi32>
    %add3A_140 = arith.addi %slice3A_137, %add3A_139 : vector<256x1xi32>
    %eq3A_141 = vector.broadcast %add3A_140 : vector<256x1xi32> to vector<256x64xi32>
    %eq3A_142 = arith.cmpi eq, %iota3A_30, %eq3A_141 : vector<256x64xi32>
    %or3A_143 = arith.ori %eq3A_136, %eq3A_142 : vector<256x64xi1>
    %convert_element_type3A_144 = arith.extui %or3A_143 : vector<256x64xi1> to vector<256x64xi32>
    %convert_element_type3A_145 = arith.sitofp %convert_element_type3A_144 : vector<256x64xi32> to vector<256x64xf32>
    %mul3A_146 = vector.broadcast %slice3A_133 : vector<256x1xf32> to vector<256x64xf32>
    %mul3A_147 = arith.mulf %convert_element_type3A_145, %mul3A_146 : vector<256x64xf32>
    %get3A_148 = arith.constant 320 : index
    %get3A_149 = arith.constant 0 : index
    %get3A_150 = vector.load %arg9[%get3A_148, %get3A_149] : memref<2048x256xf32, #tpu.memory_space<vmem>>, vector<64x256xf32>
    %dot_general3A_151 = arith.constant dense<0.000000e+00> : vector<256x256xf32>
    %dot_general3A_152 = tpu.matmul %mul3A_147, %get3A_150, %dot_general3A_151 {dimension_numbers = #tpu.dot_dimension_numbers<[1], [0], [0], [1], [0, 0, 1, 1], [], []>, transpose_lhs_hint = false} : vector<256x64xf32>, vector<64x256xf32>, vector<256x256xf32> -> vector<256x256xf32>
    %add3A_153 = arith.addf %add3A_132, %dot_general3A_152 : vector<256x256xf32>
    %slice3A_154 = vector.extract_strided_slice %get3A_1 {offsets = [0, 6], sizes = [256, 1], strides = [1, 1]} : vector<256x32xf32> to vector<256x1xf32>
    %slice3A_155 = vector.extract_strided_slice %get3A_4 {offsets = [0, 6], sizes = [256, 1], strides = [1, 1]} : vector<256x32xi32> to vector<256x1xi32>
    %eq3A_156 = vector.broadcast %slice3A_155 : vector<256x1xi32> to vector<256x64xi32>
    %eq3A_157 = arith.cmpi eq, %iota3A_30, %eq3A_156 : vector<256x64xi32>
    %slice3A_158 = vector.extract_strided_slice %get3A_7 {offsets = [0, 6], sizes = [256, 1], strides = [1, 1]} : vector<256x32xi32> to vector<256x1xi32>
    %add3A_159 = arith.constant 38 : i32
    %add3A_160 = vector.broadcast %add3A_159 : i32 to vector<256x1xi32>
    %add3A_161 = arith.addi %slice3A_158, %add3A_160 : vector<256x1xi32>
    %eq3A_162 = vector.broadcast %add3A_161 : vector<256x1xi32> to vector<256x64xi32>
    %eq3A_163 = arith.cmpi eq, %iota3A_30, %eq3A_162 : vector<256x64xi32>
    %or3A_164 = arith.ori %eq3A_157, %eq3A_163 : vector<256x64xi1>
    %convert_element_type3A_165 = arith.extui %or3A_164 : vector<256x64xi1> to vector<256x64xi32>
    %convert_element_type3A_166 = arith.sitofp %convert_element_type3A_165 : vector<256x64xi32> to vector<256x64xf32>
    %mul3A_167 = vector.broadcast %slice3A_154 : vector<256x1xf32> to vector<256x64xf32>
    %mul3A_168 = arith.mulf %convert_element_type3A_166, %mul3A_167 : vector<256x64xf32>
    %get3A_169 = arith.constant 384 : index
    %get3A_170 = arith.constant 0 : index
    %get3A_171 = vector.load %arg9[%get3A_169, %get3A_170] : memref<2048x256xf32, #tpu.memory_space<vmem>>, vector<64x256xf32>
    %dot_general3A_172 = arith.constant dense<0.000000e+00> : vector<256x256xf32>
    %dot_general3A_173 = tpu.matmul %mul3A_168, %get3A_171, %dot_general3A_172 {dimension_numbers = #tpu.dot_dimension_numbers<[1], [0], [0], [1], [0, 0, 1, 1], [], []>, transpose_lhs_hint = false} : vector<256x64xf32>, vector<64x256xf32>, vector<256x256xf32> -> vector<256x256xf32>
    %add3A_174 = arith.addf %add3A_153, %dot_general3A_173 : vector<256x256xf32>
    %slice3A_175 = vector.extract_strided_slice %get3A_1 {offsets = [0, 7], sizes = [256, 1], strides = [1, 1]} : vector<256x32xf32> to vector<256x1xf32>
    %slice3A_176 = vector.extract_strided_slice %get3A_4 {offsets = [0, 7], sizes = [256, 1], strides = [1, 1]} : vector<256x32xi32> to vector<256x1xi32>
    %eq3A_177 = vector.broadcast %slice3A_176 : vector<256x1xi32> to vector<256x64xi32>
    %eq3A_178 = arith.cmpi eq, %iota3A_30, %eq3A_177 : vector<256x64xi32>
    %slice3A_179 = vector.extract_strided_slice %get3A_7 {offsets = [0, 7], sizes = [256, 1], strides = [1, 1]} : vector<256x32xi32> to vector<256x1xi32>
    %add3A_180 = arith.constant 38 : i32
    %add3A_181 = vector.broadcast %add3A_180 : i32 to vector<256x1xi32>
    %add3A_182 = arith.addi %slice3A_179, %add3A_181 : vector<256x1xi32>
    %eq3A_183 = vector.broadcast %add3A_182 : vector<256x1xi32> to vector<256x64xi32>
    %eq3A_184 = arith.cmpi eq, %iota3A_30, %eq3A_183 : vector<256x64xi32>
    %or3A_185 = arith.ori %eq3A_178, %eq3A_184 : vector<256x64xi1>
    %convert_element_type3A_186 = arith.extui %or3A_185 : vector<256x64xi1> to vector<256x64xi32>
    %convert_element_type3A_187 = arith.sitofp %convert_element_type3A_186 : vector<256x64xi32> to vector<256x64xf32>
    %mul3A_188 = vector.broadcast %slice3A_175 : vector<256x1xf32> to vector<256x64xf32>
    %mul3A_189 = arith.mulf %convert_element_type3A_187, %mul3A_188 : vector<256x64xf32>
    %get3A_190 = arith.constant 448 : index
    %get3A_191 = arith.constant 0 : index
    %get3A_192 = vector.load %arg9[%get3A_190, %get3A_191] : memref<2048x256xf32, #tpu.memory_space<vmem>>, vector<64x256xf32>
    %dot_general3A_193 = arith.constant dense<0.000000e+00> : vector<256x256xf32>
    %dot_general3A_194 = tpu.matmul %mul3A_189, %get3A_192, %dot_general3A_193 {dimension_numbers = #tpu.dot_dimension_numbers<[1], [0], [0], [1], [0, 0, 1, 1], [], []>, transpose_lhs_hint = false} : vector<256x64xf32>, vector<64x256xf32>, vector<256x256xf32> -> vector<256x256xf32>
    %add3A_195 = arith.addf %add3A_174, %dot_general3A_194 : vector<256x256xf32>
    %slice3A_196 = vector.extract_strided_slice %get3A_1 {offsets = [0, 8], sizes = [256, 1], strides = [1, 1]} : vector<256x32xf32> to vector<256x1xf32>
    %slice3A_197 = vector.extract_strided_slice %get3A_4 {offsets = [0, 8], sizes = [256, 1], strides = [1, 1]} : vector<256x32xi32> to vector<256x1xi32>
    %eq3A_198 = vector.broadcast %slice3A_197 : vector<256x1xi32> to vector<256x64xi32>
    %eq3A_199 = arith.cmpi eq, %iota3A_30, %eq3A_198 : vector<256x64xi32>
    %slice3A_200 = vector.extract_strided_slice %get3A_7 {offsets = [0, 8], sizes = [256, 1], strides = [1, 1]} : vector<256x32xi32> to vector<256x1xi32>
    %add3A_201 = arith.constant 38 : i32
    %add3A_202 = vector.broadcast %add3A_201 : i32 to vector<256x1xi32>
    %add3A_203 = arith.addi %slice3A_200, %add3A_202 : vector<256x1xi32>
    %eq3A_204 = vector.broadcast %add3A_203 : vector<256x1xi32> to vector<256x64xi32>
    %eq3A_205 = arith.cmpi eq, %iota3A_30, %eq3A_204 : vector<256x64xi32>
    %or3A_206 = arith.ori %eq3A_199, %eq3A_205 : vector<256x64xi1>
    %convert_element_type3A_207 = arith.extui %or3A_206 : vector<256x64xi1> to vector<256x64xi32>
    %convert_element_type3A_208 = arith.sitofp %convert_element_type3A_207 : vector<256x64xi32> to vector<256x64xf32>
    %mul3A_209 = vector.broadcast %slice3A_196 : vector<256x1xf32> to vector<256x64xf32>
    %mul3A_210 = arith.mulf %convert_element_type3A_208, %mul3A_209 : vector<256x64xf32>
    %get3A_211 = arith.constant 512 : index
    %get3A_212 = arith.constant 0 : index
    %get3A_213 = vector.load %arg9[%get3A_211, %get3A_212] : memref<2048x256xf32, #tpu.memory_space<vmem>>, vector<64x256xf32>
    %dot_general3A_214 = arith.constant dense<0.000000e+00> : vector<256x256xf32>
    %dot_general3A_215 = tpu.matmul %mul3A_210, %get3A_213, %dot_general3A_214 {dimension_numbers = #tpu.dot_dimension_numbers<[1], [0], [0], [1], [0, 0, 1, 1], [], []>, transpose_lhs_hint = false} : vector<256x64xf32>, vector<64x256xf32>, vector<256x256xf32> -> vector<256x256xf32>
    %add3A_216 = arith.addf %add3A_195, %dot_general3A_215 : vector<256x256xf32>
    %slice3A_217 = vector.extract_strided_slice %get3A_1 {offsets = [0, 9], sizes = [256, 1], strides = [1, 1]} : vector<256x32xf32> to vector<256x1xf32>
    %slice3A_218 = vector.extract_strided_slice %get3A_4 {offsets = [0, 9], sizes = [256, 1], strides = [1, 1]} : vector<256x32xi32> to vector<256x1xi32>
    %eq3A_219 = vector.broadcast %slice3A_218 : vector<256x1xi32> to vector<256x64xi32>
    %eq3A_220 = arith.cmpi eq, %iota3A_30, %eq3A_219 : vector<256x64xi32>
    %slice3A_221 = vector.extract_strided_slice %get3A_7 {offsets = [0, 9], sizes = [256, 1], strides = [1, 1]} : vector<256x32xi32> to vector<256x1xi32>
    %add3A_222 = arith.constant 38 : i32
    %add3A_223 = vector.broadcast %add3A_222 : i32 to vector<256x1xi32>
    %add3A_224 = arith.addi %slice3A_221, %add3A_223 : vector<256x1xi32>
    %eq3A_225 = vector.broadcast %add3A_224 : vector<256x1xi32> to vector<256x64xi32>
    %eq3A_226 = arith.cmpi eq, %iota3A_30, %eq3A_225 : vector<256x64xi32>
    %or3A_227 = arith.ori %eq3A_220, %eq3A_226 : vector<256x64xi1>
    %convert_element_type3A_228 = arith.extui %or3A_227 : vector<256x64xi1> to vector<256x64xi32>
    %convert_element_type3A_229 = arith.sitofp %convert_element_type3A_228 : vector<256x64xi32> to vector<256x64xf32>
    %mul3A_230 = vector.broadcast %slice3A_217 : vector<256x1xf32> to vector<256x64xf32>
    %mul3A_231 = arith.mulf %convert_element_type3A_229, %mul3A_230 : vector<256x64xf32>
    %get3A_232 = arith.constant 576 : index
    %get3A_233 = arith.constant 0 : index
    %get3A_234 = vector.load %arg9[%get3A_232, %get3A_233] : memref<2048x256xf32, #tpu.memory_space<vmem>>, vector<64x256xf32>
    %dot_general3A_235 = arith.constant dense<0.000000e+00> : vector<256x256xf32>
    %dot_general3A_236 = tpu.matmul %mul3A_231, %get3A_234, %dot_general3A_235 {dimension_numbers = #tpu.dot_dimension_numbers<[1], [0], [0], [1], [0, 0, 1, 1], [], []>, transpose_lhs_hint = false} : vector<256x64xf32>, vector<64x256xf32>, vector<256x256xf32> -> vector<256x256xf32>
    %add3A_237 = arith.addf %add3A_216, %dot_general3A_236 : vector<256x256xf32>
    %slice3A_238 = vector.extract_strided_slice %get3A_1 {offsets = [0, 10], sizes = [256, 1], strides = [1, 1]} : vector<256x32xf32> to vector<256x1xf32>
    %slice3A_239 = vector.extract_strided_slice %get3A_4 {offsets = [0, 10], sizes = [256, 1], strides = [1, 1]} : vector<256x32xi32> to vector<256x1xi32>
    %eq3A_240 = vector.broadcast %slice3A_239 : vector<256x1xi32> to vector<256x64xi32>
    %eq3A_241 = arith.cmpi eq, %iota3A_30, %eq3A_240 : vector<256x64xi32>
    %slice3A_242 = vector.extract_strided_slice %get3A_7 {offsets = [0, 10], sizes = [256, 1], strides = [1, 1]} : vector<256x32xi32> to vector<256x1xi32>
    %add3A_243 = arith.constant 38 : i32
    %add3A_244 = vector.broadcast %add3A_243 : i32 to vector<256x1xi32>
    %add3A_245 = arith.addi %slice3A_242, %add3A_244 : vector<256x1xi32>
    %eq3A_246 = vector.broadcast %add3A_245 : vector<256x1xi32> to vector<256x64xi32>
    %eq3A_247 = arith.cmpi eq, %iota3A_30, %eq3A_246 : vector<256x64xi32>
    %or3A_248 = arith.ori %eq3A_241, %eq3A_247 : vector<256x64xi1>
    %convert_element_type3A_249 = arith.extui %or3A_248 : vector<256x64xi1> to vector<256x64xi32>
    %convert_element_type3A_250 = arith.sitofp %convert_element_type3A_249 : vector<256x64xi32> to vector<256x64xf32>
    %mul3A_251 = vector.broadcast %slice3A_238 : vector<256x1xf32> to vector<256x64xf32>
    %mul3A_252 = arith.mulf %convert_element_type3A_250, %mul3A_251 : vector<256x64xf32>
    %get3A_253 = arith.constant 640 : index
    %get3A_254 = arith.constant 0 : index
    %get3A_255 = vector.load %arg9[%get3A_253, %get3A_254] : memref<2048x256xf32, #tpu.memory_space<vmem>>, vector<64x256xf32>
    %dot_general3A_256 = arith.constant dense<0.000000e+00> : vector<256x256xf32>
    %dot_general3A_257 = tpu.matmul %mul3A_252, %get3A_255, %dot_general3A_256 {dimension_numbers = #tpu.dot_dimension_numbers<[1], [0], [0], [1], [0, 0, 1, 1], [], []>, transpose_lhs_hint = false} : vector<256x64xf32>, vector<64x256xf32>, vector<256x256xf32> -> vector<256x256xf32>
    %add3A_258 = arith.addf %add3A_237, %dot_general3A_257 : vector<256x256xf32>
    %slice3A_259 = vector.extract_strided_slice %get3A_1 {offsets = [0, 11], sizes = [256, 1], strides = [1, 1]} : vector<256x32xf32> to vector<256x1xf32>
    %slice3A_260 = vector.extract_strided_slice %get3A_4 {offsets = [0, 11], sizes = [256, 1], strides = [1, 1]} : vector<256x32xi32> to vector<256x1xi32>
    %eq3A_261 = vector.broadcast %slice3A_260 : vector<256x1xi32> to vector<256x64xi32>
    %eq3A_262 = arith.cmpi eq, %iota3A_30, %eq3A_261 : vector<256x64xi32>
    %slice3A_263 = vector.extract_strided_slice %get3A_7 {offsets = [0, 11], sizes = [256, 1], strides = [1, 1]} : vector<256x32xi32> to vector<256x1xi32>
    %add3A_264 = arith.constant 38 : i32
    %add3A_265 = vector.broadcast %add3A_264 : i32 to vector<256x1xi32>
    %add3A_266 = arith.addi %slice3A_263, %add3A_265 : vector<256x1xi32>
    %eq3A_267 = vector.broadcast %add3A_266 : vector<256x1xi32> to vector<256x64xi32>
    %eq3A_268 = arith.cmpi eq, %iota3A_30, %eq3A_267 : vector<256x64xi32>
    %or3A_269 = arith.ori %eq3A_262, %eq3A_268 : vector<256x64xi1>
    %convert_element_type3A_270 = arith.extui %or3A_269 : vector<256x64xi1> to vector<256x64xi32>
    %convert_element_type3A_271 = arith.sitofp %convert_element_type3A_270 : vector<256x64xi32> to vector<256x64xf32>
    %mul3A_272 = vector.broadcast %slice3A_259 : vector<256x1xf32> to vector<256x64xf32>
    %mul3A_273 = arith.mulf %convert_element_type3A_271, %mul3A_272 : vector<256x64xf32>
    %get3A_274 = arith.constant 704 : index
    %get3A_275 = arith.constant 0 : index
    %get3A_276 = vector.load %arg9[%get3A_274, %get3A_275] : memref<2048x256xf32, #tpu.memory_space<vmem>>, vector<64x256xf32>
    %dot_general3A_277 = arith.constant dense<0.000000e+00> : vector<256x256xf32>
    %dot_general3A_278 = tpu.matmul %mul3A_273, %get3A_276, %dot_general3A_277 {dimension_numbers = #tpu.dot_dimension_numbers<[1], [0], [0], [1], [0, 0, 1, 1], [], []>, transpose_lhs_hint = false} : vector<256x64xf32>, vector<64x256xf32>, vector<256x256xf32> -> vector<256x256xf32>
    %add3A_279 = arith.addf %add3A_258, %dot_general3A_278 : vector<256x256xf32>
    %slice3A_280 = vector.extract_strided_slice %get3A_1 {offsets = [0, 12], sizes = [256, 1], strides = [1, 1]} : vector<256x32xf32> to vector<256x1xf32>
    %slice3A_281 = vector.extract_strided_slice %get3A_4 {offsets = [0, 12], sizes = [256, 1], strides = [1, 1]} : vector<256x32xi32> to vector<256x1xi32>
    %eq3A_282 = vector.broadcast %slice3A_281 : vector<256x1xi32> to vector<256x64xi32>
    %eq3A_283 = arith.cmpi eq, %iota3A_30, %eq3A_282 : vector<256x64xi32>
    %slice3A_284 = vector.extract_strided_slice %get3A_7 {offsets = [0, 12], sizes = [256, 1], strides = [1, 1]} : vector<256x32xi32> to vector<256x1xi32>
    %add3A_285 = arith.constant 38 : i32
    %add3A_286 = vector.broadcast %add3A_285 : i32 to vector<256x1xi32>
    %add3A_287 = arith.addi %slice3A_284, %add3A_286 : vector<256x1xi32>
    %eq3A_288 = vector.broadcast %add3A_287 : vector<256x1xi32> to vector<256x64xi32>
    %eq3A_289 = arith.cmpi eq, %iota3A_30, %eq3A_288 : vector<256x64xi32>
    %or3A_290 = arith.ori %eq3A_283, %eq3A_289 : vector<256x64xi1>
    %convert_element_type3A_291 = arith.extui %or3A_290 : vector<256x64xi1> to vector<256x64xi32>
    %convert_element_type3A_292 = arith.sitofp %convert_element_type3A_291 : vector<256x64xi32> to vector<256x64xf32>
    %mul3A_293 = vector.broadcast %slice3A_280 : vector<256x1xf32> to vector<256x64xf32>
    %mul3A_294 = arith.mulf %convert_element_type3A_292, %mul3A_293 : vector<256x64xf32>
    %get3A_295 = arith.constant 768 : index
    %get3A_296 = arith.constant 0 : index
    %get3A_297 = vector.load %arg9[%get3A_295, %get3A_296] : memref<2048x256xf32, #tpu.memory_space<vmem>>, vector<64x256xf32>
    %dot_general3A_298 = arith.constant dense<0.000000e+00> : vector<256x256xf32>
    %dot_general3A_299 = tpu.matmul %mul3A_294, %get3A_297, %dot_general3A_298 {dimension_numbers = #tpu.dot_dimension_numbers<[1], [0], [0], [1], [0, 0, 1, 1], [], []>, transpose_lhs_hint = false} : vector<256x64xf32>, vector<64x256xf32>, vector<256x256xf32> -> vector<256x256xf32>
    %add3A_300 = arith.addf %add3A_279, %dot_general3A_299 : vector<256x256xf32>
    %slice3A_301 = vector.extract_strided_slice %get3A_1 {offsets = [0, 13], sizes = [256, 1], strides = [1, 1]} : vector<256x32xf32> to vector<256x1xf32>
    %slice3A_302 = vector.extract_strided_slice %get3A_4 {offsets = [0, 13], sizes = [256, 1], strides = [1, 1]} : vector<256x32xi32> to vector<256x1xi32>
    %eq3A_303 = vector.broadcast %slice3A_302 : vector<256x1xi32> to vector<256x64xi32>
    %eq3A_304 = arith.cmpi eq, %iota3A_30, %eq3A_303 : vector<256x64xi32>
    %slice3A_305 = vector.extract_strided_slice %get3A_7 {offsets = [0, 13], sizes = [256, 1], strides = [1, 1]} : vector<256x32xi32> to vector<256x1xi32>
    %add3A_306 = arith.constant 38 : i32
    %add3A_307 = vector.broadcast %add3A_306 : i32 to vector<256x1xi32>
    %add3A_308 = arith.addi %slice3A_305, %add3A_307 : vector<256x1xi32>
    %eq3A_309 = vector.broadcast %add3A_308 : vector<256x1xi32> to vector<256x64xi32>
    %eq3A_310 = arith.cmpi eq, %iota3A_30, %eq3A_309 : vector<256x64xi32>
    %or3A_311 = arith.ori %eq3A_304, %eq3A_310 : vector<256x64xi1>
    %convert_element_type3A_312 = arith.extui %or3A_311 : vector<256x64xi1> to vector<256x64xi32>
    %convert_element_type3A_313 = arith.sitofp %convert_element_type3A_312 : vector<256x64xi32> to vector<256x64xf32>
    %mul3A_314 = vector.broadcast %slice3A_301 : vector<256x1xf32> to vector<256x64xf32>
    %mul3A_315 = arith.mulf %convert_element_type3A_313, %mul3A_314 : vector<256x64xf32>
    %get3A_316 = arith.constant 832 : index
    %get3A_317 = arith.constant 0 : index
    %get3A_318 = vector.load %arg9[%get3A_316, %get3A_317] : memref<2048x256xf32, #tpu.memory_space<vmem>>, vector<64x256xf32>
    %dot_general3A_319 = arith.constant dense<0.000000e+00> : vector<256x256xf32>
    %dot_general3A_320 = tpu.matmul %mul3A_315, %get3A_318, %dot_general3A_319 {dimension_numbers = #tpu.dot_dimension_numbers<[1], [0], [0], [1], [0, 0, 1, 1], [], []>, transpose_lhs_hint = false} : vector<256x64xf32>, vector<64x256xf32>, vector<256x256xf32> -> vector<256x256xf32>
    %add3A_321 = arith.addf %add3A_300, %dot_general3A_320 : vector<256x256xf32>
    %slice3A_322 = vector.extract_strided_slice %get3A_1 {offsets = [0, 14], sizes = [256, 1], strides = [1, 1]} : vector<256x32xf32> to vector<256x1xf32>
    %slice3A_323 = vector.extract_strided_slice %get3A_4 {offsets = [0, 14], sizes = [256, 1], strides = [1, 1]} : vector<256x32xi32> to vector<256x1xi32>
    %eq3A_324 = vector.broadcast %slice3A_323 : vector<256x1xi32> to vector<256x64xi32>
    %eq3A_325 = arith.cmpi eq, %iota3A_30, %eq3A_324 : vector<256x64xi32>
    %slice3A_326 = vector.extract_strided_slice %get3A_7 {offsets = [0, 14], sizes = [256, 1], strides = [1, 1]} : vector<256x32xi32> to vector<256x1xi32>
    %add3A_327 = arith.constant 38 : i32
    %add3A_328 = vector.broadcast %add3A_327 : i32 to vector<256x1xi32>
    %add3A_329 = arith.addi %slice3A_326, %add3A_328 : vector<256x1xi32>
    %eq3A_330 = vector.broadcast %add3A_329 : vector<256x1xi32> to vector<256x64xi32>
    %eq3A_331 = arith.cmpi eq, %iota3A_30, %eq3A_330 : vector<256x64xi32>
    %or3A_332 = arith.ori %eq3A_325, %eq3A_331 : vector<256x64xi1>
    %convert_element_type3A_333 = arith.extui %or3A_332 : vector<256x64xi1> to vector<256x64xi32>
    %convert_element_type3A_334 = arith.sitofp %convert_element_type3A_333 : vector<256x64xi32> to vector<256x64xf32>
    %mul3A_335 = vector.broadcast %slice3A_322 : vector<256x1xf32> to vector<256x64xf32>
    %mul3A_336 = arith.mulf %convert_element_type3A_334, %mul3A_335 : vector<256x64xf32>
    %get3A_337 = arith.constant 896 : index
    %get3A_338 = arith.constant 0 : index
    %get3A_339 = vector.load %arg9[%get3A_337, %get3A_338] : memref<2048x256xf32, #tpu.memory_space<vmem>>, vector<64x256xf32>
    %dot_general3A_340 = arith.constant dense<0.000000e+00> : vector<256x256xf32>
    %dot_general3A_341 = tpu.matmul %mul3A_336, %get3A_339, %dot_general3A_340 {dimension_numbers = #tpu.dot_dimension_numbers<[1], [0], [0], [1], [0, 0, 1, 1], [], []>, transpose_lhs_hint = false} : vector<256x64xf32>, vector<64x256xf32>, vector<256x256xf32> -> vector<256x256xf32>
    %add3A_342 = arith.addf %add3A_321, %dot_general3A_341 : vector<256x256xf32>
    %slice3A_343 = vector.extract_strided_slice %get3A_1 {offsets = [0, 15], sizes = [256, 1], strides = [1, 1]} : vector<256x32xf32> to vector<256x1xf32>
    %slice3A_344 = vector.extract_strided_slice %get3A_4 {offsets = [0, 15], sizes = [256, 1], strides = [1, 1]} : vector<256x32xi32> to vector<256x1xi32>
    %eq3A_345 = vector.broadcast %slice3A_344 : vector<256x1xi32> to vector<256x64xi32>
    %eq3A_346 = arith.cmpi eq, %iota3A_30, %eq3A_345 : vector<256x64xi32>
    %slice3A_347 = vector.extract_strided_slice %get3A_7 {offsets = [0, 15], sizes = [256, 1], strides = [1, 1]} : vector<256x32xi32> to vector<256x1xi32>
    %add3A_348 = arith.constant 38 : i32
    %add3A_349 = vector.broadcast %add3A_348 : i32 to vector<256x1xi32>
    %add3A_350 = arith.addi %slice3A_347, %add3A_349 : vector<256x1xi32>
    %eq3A_351 = vector.broadcast %add3A_350 : vector<256x1xi32> to vector<256x64xi32>
    %eq3A_352 = arith.cmpi eq, %iota3A_30, %eq3A_351 : vector<256x64xi32>
    %or3A_353 = arith.ori %eq3A_346, %eq3A_352 : vector<256x64xi1>
    %convert_element_type3A_354 = arith.extui %or3A_353 : vector<256x64xi1> to vector<256x64xi32>
    %convert_element_type3A_355 = arith.sitofp %convert_element_type3A_354 : vector<256x64xi32> to vector<256x64xf32>
    %mul3A_356 = vector.broadcast %slice3A_343 : vector<256x1xf32> to vector<256x64xf32>
    %mul3A_357 = arith.mulf %convert_element_type3A_355, %mul3A_356 : vector<256x64xf32>
    %get3A_358 = arith.constant 960 : index
    %get3A_359 = arith.constant 0 : index
    %get3A_360 = vector.load %arg9[%get3A_358, %get3A_359] : memref<2048x256xf32, #tpu.memory_space<vmem>>, vector<64x256xf32>
    %dot_general3A_361 = arith.constant dense<0.000000e+00> : vector<256x256xf32>
    %dot_general3A_362 = tpu.matmul %mul3A_357, %get3A_360, %dot_general3A_361 {dimension_numbers = #tpu.dot_dimension_numbers<[1], [0], [0], [1], [0, 0, 1, 1], [], []>, transpose_lhs_hint = false} : vector<256x64xf32>, vector<64x256xf32>, vector<256x256xf32> -> vector<256x256xf32>
    %add3A_363 = arith.addf %add3A_342, %dot_general3A_362 : vector<256x256xf32>
    %slice3A_364 = vector.extract_strided_slice %get3A_1 {offsets = [0, 16], sizes = [256, 1], strides = [1, 1]} : vector<256x32xf32> to vector<256x1xf32>
    %slice3A_365 = vector.extract_strided_slice %get3A_4 {offsets = [0, 16], sizes = [256, 1], strides = [1, 1]} : vector<256x32xi32> to vector<256x1xi32>
    %eq3A_366 = vector.broadcast %slice3A_365 : vector<256x1xi32> to vector<256x64xi32>
    %eq3A_367 = arith.cmpi eq, %iota3A_30, %eq3A_366 : vector<256x64xi32>
    %slice3A_368 = vector.extract_strided_slice %get3A_7 {offsets = [0, 16], sizes = [256, 1], strides = [1, 1]} : vector<256x32xi32> to vector<256x1xi32>
    %add3A_369 = arith.constant 38 : i32
    %add3A_370 = vector.broadcast %add3A_369 : i32 to vector<256x1xi32>
    %add3A_371 = arith.addi %slice3A_368, %add3A_370 : vector<256x1xi32>
    %eq3A_372 = vector.broadcast %add3A_371 : vector<256x1xi32> to vector<256x64xi32>
    %eq3A_373 = arith.cmpi eq, %iota3A_30, %eq3A_372 : vector<256x64xi32>
    %or3A_374 = arith.ori %eq3A_367, %eq3A_373 : vector<256x64xi1>
    %convert_element_type3A_375 = arith.extui %or3A_374 : vector<256x64xi1> to vector<256x64xi32>
    %convert_element_type3A_376 = arith.sitofp %convert_element_type3A_375 : vector<256x64xi32> to vector<256x64xf32>
    %mul3A_377 = vector.broadcast %slice3A_364 : vector<256x1xf32> to vector<256x64xf32>
    %mul3A_378 = arith.mulf %convert_element_type3A_376, %mul3A_377 : vector<256x64xf32>
    %get3A_379 = arith.constant 1024 : index
    %get3A_380 = arith.constant 0 : index
    %get3A_381 = vector.load %arg9[%get3A_379, %get3A_380] : memref<2048x256xf32, #tpu.memory_space<vmem>>, vector<64x256xf32>
    %dot_general3A_382 = arith.constant dense<0.000000e+00> : vector<256x256xf32>
    %dot_general3A_383 = tpu.matmul %mul3A_378, %get3A_381, %dot_general3A_382 {dimension_numbers = #tpu.dot_dimension_numbers<[1], [0], [0], [1], [0, 0, 1, 1], [], []>, transpose_lhs_hint = false} : vector<256x64xf32>, vector<64x256xf32>, vector<256x256xf32> -> vector<256x256xf32>
    %add3A_384 = arith.addf %add3A_363, %dot_general3A_383 : vector<256x256xf32>
    %slice3A_385 = vector.extract_strided_slice %get3A_1 {offsets = [0, 17], sizes = [256, 1], strides = [1, 1]} : vector<256x32xf32> to vector<256x1xf32>
    %slice3A_386 = vector.extract_strided_slice %get3A_4 {offsets = [0, 17], sizes = [256, 1], strides = [1, 1]} : vector<256x32xi32> to vector<256x1xi32>
    %eq3A_387 = vector.broadcast %slice3A_386 : vector<256x1xi32> to vector<256x64xi32>
    %eq3A_388 = arith.cmpi eq, %iota3A_30, %eq3A_387 : vector<256x64xi32>
    %slice3A_389 = vector.extract_strided_slice %get3A_7 {offsets = [0, 17], sizes = [256, 1], strides = [1, 1]} : vector<256x32xi32> to vector<256x1xi32>
    %add3A_390 = arith.constant 38 : i32
    %add3A_391 = vector.broadcast %add3A_390 : i32 to vector<256x1xi32>
    %add3A_392 = arith.addi %slice3A_389, %add3A_391 : vector<256x1xi32>
    %eq3A_393 = vector.broadcast %add3A_392 : vector<256x1xi32> to vector<256x64xi32>
    %eq3A_394 = arith.cmpi eq, %iota3A_30, %eq3A_393 : vector<256x64xi32>
    %or3A_395 = arith.ori %eq3A_388, %eq3A_394 : vector<256x64xi1>
    %convert_element_type3A_396 = arith.extui %or3A_395 : vector<256x64xi1> to vector<256x64xi32>
    %convert_element_type3A_397 = arith.sitofp %convert_element_type3A_396 : vector<256x64xi32> to vector<256x64xf32>
    %mul3A_398 = vector.broadcast %slice3A_385 : vector<256x1xf32> to vector<256x64xf32>
    %mul3A_399 = arith.mulf %convert_element_type3A_397, %mul3A_398 : vector<256x64xf32>
    %get3A_400 = arith.constant 1088 : index
    %get3A_401 = arith.constant 0 : index
    %get3A_402 = vector.load %arg9[%get3A_400, %get3A_401] : memref<2048x256xf32, #tpu.memory_space<vmem>>, vector<64x256xf32>
    %dot_general3A_403 = arith.constant dense<0.000000e+00> : vector<256x256xf32>
    %dot_general3A_404 = tpu.matmul %mul3A_399, %get3A_402, %dot_general3A_403 {dimension_numbers = #tpu.dot_dimension_numbers<[1], [0], [0], [1], [0, 0, 1, 1], [], []>, transpose_lhs_hint = false} : vector<256x64xf32>, vector<64x256xf32>, vector<256x256xf32> -> vector<256x256xf32>
    %add3A_405 = arith.addf %add3A_384, %dot_general3A_404 : vector<256x256xf32>
    %slice3A_406 = vector.extract_strided_slice %get3A_1 {offsets = [0, 18], sizes = [256, 1], strides = [1, 1]} : vector<256x32xf32> to vector<256x1xf32>
    %slice3A_407 = vector.extract_strided_slice %get3A_4 {offsets = [0, 18], sizes = [256, 1], strides = [1, 1]} : vector<256x32xi32> to vector<256x1xi32>
    %eq3A_408 = vector.broadcast %slice3A_407 : vector<256x1xi32> to vector<256x64xi32>
    %eq3A_409 = arith.cmpi eq, %iota3A_30, %eq3A_408 : vector<256x64xi32>
    %slice3A_410 = vector.extract_strided_slice %get3A_7 {offsets = [0, 18], sizes = [256, 1], strides = [1, 1]} : vector<256x32xi32> to vector<256x1xi32>
    %add3A_411 = arith.constant 38 : i32
    %add3A_412 = vector.broadcast %add3A_411 : i32 to vector<256x1xi32>
    %add3A_413 = arith.addi %slice3A_410, %add3A_412 : vector<256x1xi32>
    %eq3A_414 = vector.broadcast %add3A_413 : vector<256x1xi32> to vector<256x64xi32>
    %eq3A_415 = arith.cmpi eq, %iota3A_30, %eq3A_414 : vector<256x64xi32>
    %or3A_416 = arith.ori %eq3A_409, %eq3A_415 : vector<256x64xi1>
    %convert_element_type3A_417 = arith.extui %or3A_416 : vector<256x64xi1> to vector<256x64xi32>
    %convert_element_type3A_418 = arith.sitofp %convert_element_type3A_417 : vector<256x64xi32> to vector<256x64xf32>
    %mul3A_419 = vector.broadcast %slice3A_406 : vector<256x1xf32> to vector<256x64xf32>
    %mul3A_420 = arith.mulf %convert_element_type3A_418, %mul3A_419 : vector<256x64xf32>
    %get3A_421 = arith.constant 1152 : index
    %get3A_422 = arith.constant 0 : index
    %get3A_423 = vector.load %arg9[%get3A_421, %get3A_422] : memref<2048x256xf32, #tpu.memory_space<vmem>>, vector<64x256xf32>
    %dot_general3A_424 = arith.constant dense<0.000000e+00> : vector<256x256xf32>
    %dot_general3A_425 = tpu.matmul %mul3A_420, %get3A_423, %dot_general3A_424 {dimension_numbers = #tpu.dot_dimension_numbers<[1], [0], [0], [1], [0, 0, 1, 1], [], []>, transpose_lhs_hint = false} : vector<256x64xf32>, vector<64x256xf32>, vector<256x256xf32> -> vector<256x256xf32>
    %add3A_426 = arith.addf %add3A_405, %dot_general3A_425 : vector<256x256xf32>
    %slice3A_427 = vector.extract_strided_slice %get3A_1 {offsets = [0, 19], sizes = [256, 1], strides = [1, 1]} : vector<256x32xf32> to vector<256x1xf32>
    %slice3A_428 = vector.extract_strided_slice %get3A_4 {offsets = [0, 19], sizes = [256, 1], strides = [1, 1]} : vector<256x32xi32> to vector<256x1xi32>
    %eq3A_429 = vector.broadcast %slice3A_428 : vector<256x1xi32> to vector<256x64xi32>
    %eq3A_430 = arith.cmpi eq, %iota3A_30, %eq3A_429 : vector<256x64xi32>
    %slice3A_431 = vector.extract_strided_slice %get3A_7 {offsets = [0, 19], sizes = [256, 1], strides = [1, 1]} : vector<256x32xi32> to vector<256x1xi32>
    %add3A_432 = arith.constant 38 : i32
    %add3A_433 = vector.broadcast %add3A_432 : i32 to vector<256x1xi32>
    %add3A_434 = arith.addi %slice3A_431, %add3A_433 : vector<256x1xi32>
    %eq3A_435 = vector.broadcast %add3A_434 : vector<256x1xi32> to vector<256x64xi32>
    %eq3A_436 = arith.cmpi eq, %iota3A_30, %eq3A_435 : vector<256x64xi32>
    %or3A_437 = arith.ori %eq3A_430, %eq3A_436 : vector<256x64xi1>
    %convert_element_type3A_438 = arith.extui %or3A_437 : vector<256x64xi1> to vector<256x64xi32>
    %convert_element_type3A_439 = arith.sitofp %convert_element_type3A_438 : vector<256x64xi32> to vector<256x64xf32>
    %mul3A_440 = vector.broadcast %slice3A_427 : vector<256x1xf32> to vector<256x64xf32>
    %mul3A_441 = arith.mulf %convert_element_type3A_439, %mul3A_440 : vector<256x64xf32>
    %get3A_442 = arith.constant 1216 : index
    %get3A_443 = arith.constant 0 : index
    %get3A_444 = vector.load %arg9[%get3A_442, %get3A_443] : memref<2048x256xf32, #tpu.memory_space<vmem>>, vector<64x256xf32>
    %dot_general3A_445 = arith.constant dense<0.000000e+00> : vector<256x256xf32>
    %dot_general3A_446 = tpu.matmul %mul3A_441, %get3A_444, %dot_general3A_445 {dimension_numbers = #tpu.dot_dimension_numbers<[1], [0], [0], [1], [0, 0, 1, 1], [], []>, transpose_lhs_hint = false} : vector<256x64xf32>, vector<64x256xf32>, vector<256x256xf32> -> vector<256x256xf32>
    %add3A_447 = arith.addf %add3A_426, %dot_general3A_446 : vector<256x256xf32>
    %slice3A_448 = vector.extract_strided_slice %get3A_1 {offsets = [0, 20], sizes = [256, 1], strides = [1, 1]} : vector<256x32xf32> to vector<256x1xf32>
    %slice3A_449 = vector.extract_strided_slice %get3A_4 {offsets = [0, 20], sizes = [256, 1], strides = [1, 1]} : vector<256x32xi32> to vector<256x1xi32>
    %eq3A_450 = vector.broadcast %slice3A_449 : vector<256x1xi32> to vector<256x64xi32>
    %eq3A_451 = arith.cmpi eq, %iota3A_30, %eq3A_450 : vector<256x64xi32>
    %slice3A_452 = vector.extract_strided_slice %get3A_7 {offsets = [0, 20], sizes = [256, 1], strides = [1, 1]} : vector<256x32xi32> to vector<256x1xi32>
    %add3A_453 = arith.constant 38 : i32
    %add3A_454 = vector.broadcast %add3A_453 : i32 to vector<256x1xi32>
    %add3A_455 = arith.addi %slice3A_452, %add3A_454 : vector<256x1xi32>
    %eq3A_456 = vector.broadcast %add3A_455 : vector<256x1xi32> to vector<256x64xi32>
    %eq3A_457 = arith.cmpi eq, %iota3A_30, %eq3A_456 : vector<256x64xi32>
    %or3A_458 = arith.ori %eq3A_451, %eq3A_457 : vector<256x64xi1>
    %convert_element_type3A_459 = arith.extui %or3A_458 : vector<256x64xi1> to vector<256x64xi32>
    %convert_element_type3A_460 = arith.sitofp %convert_element_type3A_459 : vector<256x64xi32> to vector<256x64xf32>
    %mul3A_461 = vector.broadcast %slice3A_448 : vector<256x1xf32> to vector<256x64xf32>
    %mul3A_462 = arith.mulf %convert_element_type3A_460, %mul3A_461 : vector<256x64xf32>
    %get3A_463 = arith.constant 1280 : index
    %get3A_464 = arith.constant 0 : index
    %get3A_465 = vector.load %arg9[%get3A_463, %get3A_464] : memref<2048x256xf32, #tpu.memory_space<vmem>>, vector<64x256xf32>
    %dot_general3A_466 = arith.constant dense<0.000000e+00> : vector<256x256xf32>
    %dot_general3A_467 = tpu.matmul %mul3A_462, %get3A_465, %dot_general3A_466 {dimension_numbers = #tpu.dot_dimension_numbers<[1], [0], [0], [1], [0, 0, 1, 1], [], []>, transpose_lhs_hint = false} : vector<256x64xf32>, vector<64x256xf32>, vector<256x256xf32> -> vector<256x256xf32>
    %add3A_468 = arith.addf %add3A_447, %dot_general3A_467 : vector<256x256xf32>
    %slice3A_469 = vector.extract_strided_slice %get3A_1 {offsets = [0, 21], sizes = [256, 1], strides = [1, 1]} : vector<256x32xf32> to vector<256x1xf32>
    %slice3A_470 = vector.extract_strided_slice %get3A_4 {offsets = [0, 21], sizes = [256, 1], strides = [1, 1]} : vector<256x32xi32> to vector<256x1xi32>
    %eq3A_471 = vector.broadcast %slice3A_470 : vector<256x1xi32> to vector<256x64xi32>
    %eq3A_472 = arith.cmpi eq, %iota3A_30, %eq3A_471 : vector<256x64xi32>
    %slice3A_473 = vector.extract_strided_slice %get3A_7 {offsets = [0, 21], sizes = [256, 1], strides = [1, 1]} : vector<256x32xi32> to vector<256x1xi32>
    %add3A_474 = arith.constant 38 : i32
    %add3A_475 = vector.broadcast %add3A_474 : i32 to vector<256x1xi32>
    %add3A_476 = arith.addi %slice3A_473, %add3A_475 : vector<256x1xi32>
    %eq3A_477 = vector.broadcast %add3A_476 : vector<256x1xi32> to vector<256x64xi32>
    %eq3A_478 = arith.cmpi eq, %iota3A_30, %eq3A_477 : vector<256x64xi32>
    %or3A_479 = arith.ori %eq3A_472, %eq3A_478 : vector<256x64xi1>
    %convert_element_type3A_480 = arith.extui %or3A_479 : vector<256x64xi1> to vector<256x64xi32>
    %convert_element_type3A_481 = arith.sitofp %convert_element_type3A_480 : vector<256x64xi32> to vector<256x64xf32>
    %mul3A_482 = vector.broadcast %slice3A_469 : vector<256x1xf32> to vector<256x64xf32>
    %mul3A_483 = arith.mulf %convert_element_type3A_481, %mul3A_482 : vector<256x64xf32>
    %get3A_484 = arith.constant 1344 : index
    %get3A_485 = arith.constant 0 : index
    %get3A_486 = vector.load %arg9[%get3A_484, %get3A_485] : memref<2048x256xf32, #tpu.memory_space<vmem>>, vector<64x256xf32>
    %dot_general3A_487 = arith.constant dense<0.000000e+00> : vector<256x256xf32>
    %dot_general3A_488 = tpu.matmul %mul3A_483, %get3A_486, %dot_general3A_487 {dimension_numbers = #tpu.dot_dimension_numbers<[1], [0], [0], [1], [0, 0, 1, 1], [], []>, transpose_lhs_hint = false} : vector<256x64xf32>, vector<64x256xf32>, vector<256x256xf32> -> vector<256x256xf32>
    %add3A_489 = arith.addf %add3A_468, %dot_general3A_488 : vector<256x256xf32>
    %slice3A_490 = vector.extract_strided_slice %get3A_1 {offsets = [0, 22], sizes = [256, 1], strides = [1, 1]} : vector<256x32xf32> to vector<256x1xf32>
    %slice3A_491 = vector.extract_strided_slice %get3A_4 {offsets = [0, 22], sizes = [256, 1], strides = [1, 1]} : vector<256x32xi32> to vector<256x1xi32>
    %eq3A_492 = vector.broadcast %slice3A_491 : vector<256x1xi32> to vector<256x64xi32>
    %eq3A_493 = arith.cmpi eq, %iota3A_30, %eq3A_492 : vector<256x64xi32>
    %slice3A_494 = vector.extract_strided_slice %get3A_7 {offsets = [0, 22], sizes = [256, 1], strides = [1, 1]} : vector<256x32xi32> to vector<256x1xi32>
    %add3A_495 = arith.constant 38 : i32
    %add3A_496 = vector.broadcast %add3A_495 : i32 to vector<256x1xi32>
    %add3A_497 = arith.addi %slice3A_494, %add3A_496 : vector<256x1xi32>
    %eq3A_498 = vector.broadcast %add3A_497 : vector<256x1xi32> to vector<256x64xi32>
    %eq3A_499 = arith.cmpi eq, %iota3A_30, %eq3A_498 : vector<256x64xi32>
    %or3A_500 = arith.ori %eq3A_493, %eq3A_499 : vector<256x64xi1>
    %convert_element_type3A_501 = arith.extui %or3A_500 : vector<256x64xi1> to vector<256x64xi32>
    %convert_element_type3A_502 = arith.sitofp %convert_element_type3A_501 : vector<256x64xi32> to vector<256x64xf32>
    %mul3A_503 = vector.broadcast %slice3A_490 : vector<256x1xf32> to vector<256x64xf32>
    %mul3A_504 = arith.mulf %convert_element_type3A_502, %mul3A_503 : vector<256x64xf32>
    %get3A_505 = arith.constant 1408 : index
    %get3A_506 = arith.constant 0 : index
    %get3A_507 = vector.load %arg9[%get3A_505, %get3A_506] : memref<2048x256xf32, #tpu.memory_space<vmem>>, vector<64x256xf32>
    %dot_general3A_508 = arith.constant dense<0.000000e+00> : vector<256x256xf32>
    %dot_general3A_509 = tpu.matmul %mul3A_504, %get3A_507, %dot_general3A_508 {dimension_numbers = #tpu.dot_dimension_numbers<[1], [0], [0], [1], [0, 0, 1, 1], [], []>, transpose_lhs_hint = false} : vector<256x64xf32>, vector<64x256xf32>, vector<256x256xf32> -> vector<256x256xf32>
    %add3A_510 = arith.addf %add3A_489, %dot_general3A_509 : vector<256x256xf32>
    %slice3A_511 = vector.extract_strided_slice %get3A_1 {offsets = [0, 23], sizes = [256, 1], strides = [1, 1]} : vector<256x32xf32> to vector<256x1xf32>
    %slice3A_512 = vector.extract_strided_slice %get3A_4 {offsets = [0, 23], sizes = [256, 1], strides = [1, 1]} : vector<256x32xi32> to vector<256x1xi32>
    %eq3A_513 = vector.broadcast %slice3A_512 : vector<256x1xi32> to vector<256x64xi32>
    %eq3A_514 = arith.cmpi eq, %iota3A_30, %eq3A_513 : vector<256x64xi32>
    %slice3A_515 = vector.extract_strided_slice %get3A_7 {offsets = [0, 23], sizes = [256, 1], strides = [1, 1]} : vector<256x32xi32> to vector<256x1xi32>
    %add3A_516 = arith.constant 38 : i32
    %add3A_517 = vector.broadcast %add3A_516 : i32 to vector<256x1xi32>
    %add3A_518 = arith.addi %slice3A_515, %add3A_517 : vector<256x1xi32>
    %eq3A_519 = vector.broadcast %add3A_518 : vector<256x1xi32> to vector<256x64xi32>
    %eq3A_520 = arith.cmpi eq, %iota3A_30, %eq3A_519 : vector<256x64xi32>
    %or3A_521 = arith.ori %eq3A_514, %eq3A_520 : vector<256x64xi1>
    %convert_element_type3A_522 = arith.extui %or3A_521 : vector<256x64xi1> to vector<256x64xi32>
    %convert_element_type3A_523 = arith.sitofp %convert_element_type3A_522 : vector<256x64xi32> to vector<256x64xf32>
    %mul3A_524 = vector.broadcast %slice3A_511 : vector<256x1xf32> to vector<256x64xf32>
    %mul3A_525 = arith.mulf %convert_element_type3A_523, %mul3A_524 : vector<256x64xf32>
    %get3A_526 = arith.constant 1472 : index
    %get3A_527 = arith.constant 0 : index
    %get3A_528 = vector.load %arg9[%get3A_526, %get3A_527] : memref<2048x256xf32, #tpu.memory_space<vmem>>, vector<64x256xf32>
    %dot_general3A_529 = arith.constant dense<0.000000e+00> : vector<256x256xf32>
    %dot_general3A_530 = tpu.matmul %mul3A_525, %get3A_528, %dot_general3A_529 {dimension_numbers = #tpu.dot_dimension_numbers<[1], [0], [0], [1], [0, 0, 1, 1], [], []>, transpose_lhs_hint = false} : vector<256x64xf32>, vector<64x256xf32>, vector<256x256xf32> -> vector<256x256xf32>
    %add3A_531 = arith.addf %add3A_510, %dot_general3A_530 : vector<256x256xf32>
    %slice3A_532 = vector.extract_strided_slice %get3A_1 {offsets = [0, 24], sizes = [256, 1], strides = [1, 1]} : vector<256x32xf32> to vector<256x1xf32>
    %slice3A_533 = vector.extract_strided_slice %get3A_4 {offsets = [0, 24], sizes = [256, 1], strides = [1, 1]} : vector<256x32xi32> to vector<256x1xi32>
    %eq3A_534 = vector.broadcast %slice3A_533 : vector<256x1xi32> to vector<256x64xi32>
    %eq3A_535 = arith.cmpi eq, %iota3A_30, %eq3A_534 : vector<256x64xi32>
    %slice3A_536 = vector.extract_strided_slice %get3A_7 {offsets = [0, 24], sizes = [256, 1], strides = [1, 1]} : vector<256x32xi32> to vector<256x1xi32>
    %add3A_537 = arith.constant 38 : i32
    %add3A_538 = vector.broadcast %add3A_537 : i32 to vector<256x1xi32>
    %add3A_539 = arith.addi %slice3A_536, %add3A_538 : vector<256x1xi32>
    %eq3A_540 = vector.broadcast %add3A_539 : vector<256x1xi32> to vector<256x64xi32>
    %eq3A_541 = arith.cmpi eq, %iota3A_30, %eq3A_540 : vector<256x64xi32>
    %or3A_542 = arith.ori %eq3A_535, %eq3A_541 : vector<256x64xi1>
    %convert_element_type3A_543 = arith.extui %or3A_542 : vector<256x64xi1> to vector<256x64xi32>
    %convert_element_type3A_544 = arith.sitofp %convert_element_type3A_543 : vector<256x64xi32> to vector<256x64xf32>
    %mul3A_545 = vector.broadcast %slice3A_532 : vector<256x1xf32> to vector<256x64xf32>
    %mul3A_546 = arith.mulf %convert_element_type3A_544, %mul3A_545 : vector<256x64xf32>
    %get3A_547 = arith.constant 1536 : index
    %get3A_548 = arith.constant 0 : index
    %get3A_549 = vector.load %arg9[%get3A_547, %get3A_548] : memref<2048x256xf32, #tpu.memory_space<vmem>>, vector<64x256xf32>
    %dot_general3A_550 = arith.constant dense<0.000000e+00> : vector<256x256xf32>
    %dot_general3A_551 = tpu.matmul %mul3A_546, %get3A_549, %dot_general3A_550 {dimension_numbers = #tpu.dot_dimension_numbers<[1], [0], [0], [1], [0, 0, 1, 1], [], []>, transpose_lhs_hint = false} : vector<256x64xf32>, vector<64x256xf32>, vector<256x256xf32> -> vector<256x256xf32>
    %add3A_552 = arith.addf %add3A_531, %dot_general3A_551 : vector<256x256xf32>
    %slice3A_553 = vector.extract_strided_slice %get3A_1 {offsets = [0, 25], sizes = [256, 1], strides = [1, 1]} : vector<256x32xf32> to vector<256x1xf32>
    %slice3A_554 = vector.extract_strided_slice %get3A_4 {offsets = [0, 25], sizes = [256, 1], strides = [1, 1]} : vector<256x32xi32> to vector<256x1xi32>
    %eq3A_555 = vector.broadcast %slice3A_554 : vector<256x1xi32> to vector<256x64xi32>
    %eq3A_556 = arith.cmpi eq, %iota3A_30, %eq3A_555 : vector<256x64xi32>
    %slice3A_557 = vector.extract_strided_slice %get3A_7 {offsets = [0, 25], sizes = [256, 1], strides = [1, 1]} : vector<256x32xi32> to vector<256x1xi32>
    %add3A_558 = arith.constant 38 : i32
    %add3A_559 = vector.broadcast %add3A_558 : i32 to vector<256x1xi32>
    %add3A_560 = arith.addi %slice3A_557, %add3A_559 : vector<256x1xi32>
    %eq3A_561 = vector.broadcast %add3A_560 : vector<256x1xi32> to vector<256x64xi32>
    %eq3A_562 = arith.cmpi eq, %iota3A_30, %eq3A_561 : vector<256x64xi32>
    %or3A_563 = arith.ori %eq3A_556, %eq3A_562 : vector<256x64xi1>
    %convert_element_type3A_564 = arith.extui %or3A_563 : vector<256x64xi1> to vector<256x64xi32>
    %convert_element_type3A_565 = arith.sitofp %convert_element_type3A_564 : vector<256x64xi32> to vector<256x64xf32>
    %mul3A_566 = vector.broadcast %slice3A_553 : vector<256x1xf32> to vector<256x64xf32>
    %mul3A_567 = arith.mulf %convert_element_type3A_565, %mul3A_566 : vector<256x64xf32>
    %get3A_568 = arith.constant 1600 : index
    %get3A_569 = arith.constant 0 : index
    %get3A_570 = vector.load %arg9[%get3A_568, %get3A_569] : memref<2048x256xf32, #tpu.memory_space<vmem>>, vector<64x256xf32>
    %dot_general3A_571 = arith.constant dense<0.000000e+00> : vector<256x256xf32>
    %dot_general3A_572 = tpu.matmul %mul3A_567, %get3A_570, %dot_general3A_571 {dimension_numbers = #tpu.dot_dimension_numbers<[1], [0], [0], [1], [0, 0, 1, 1], [], []>, transpose_lhs_hint = false} : vector<256x64xf32>, vector<64x256xf32>, vector<256x256xf32> -> vector<256x256xf32>
    %add3A_573 = arith.addf %add3A_552, %dot_general3A_572 : vector<256x256xf32>
    %slice3A_574 = vector.extract_strided_slice %get3A_1 {offsets = [0, 26], sizes = [256, 1], strides = [1, 1]} : vector<256x32xf32> to vector<256x1xf32>
    %slice3A_575 = vector.extract_strided_slice %get3A_4 {offsets = [0, 26], sizes = [256, 1], strides = [1, 1]} : vector<256x32xi32> to vector<256x1xi32>
    %eq3A_576 = vector.broadcast %slice3A_575 : vector<256x1xi32> to vector<256x64xi32>
    %eq3A_577 = arith.cmpi eq, %iota3A_30, %eq3A_576 : vector<256x64xi32>
    %slice3A_578 = vector.extract_strided_slice %get3A_7 {offsets = [0, 26], sizes = [256, 1], strides = [1, 1]} : vector<256x32xi32> to vector<256x1xi32>
    %add3A_579 = arith.constant 38 : i32
    %add3A_580 = vector.broadcast %add3A_579 : i32 to vector<256x1xi32>
    %add3A_581 = arith.addi %slice3A_578, %add3A_580 : vector<256x1xi32>
    %eq3A_582 = vector.broadcast %add3A_581 : vector<256x1xi32> to vector<256x64xi32>
    %eq3A_583 = arith.cmpi eq, %iota3A_30, %eq3A_582 : vector<256x64xi32>
    %or3A_584 = arith.ori %eq3A_577, %eq3A_583 : vector<256x64xi1>
    %convert_element_type3A_585 = arith.extui %or3A_584 : vector<256x64xi1> to vector<256x64xi32>
    %convert_element_type3A_586 = arith.sitofp %convert_element_type3A_585 : vector<256x64xi32> to vector<256x64xf32>
    %mul3A_587 = vector.broadcast %slice3A_574 : vector<256x1xf32> to vector<256x64xf32>
    %mul3A_588 = arith.mulf %convert_element_type3A_586, %mul3A_587 : vector<256x64xf32>
    %get3A_589 = arith.constant 1664 : index
    %get3A_590 = arith.constant 0 : index
    %get3A_591 = vector.load %arg9[%get3A_589, %get3A_590] : memref<2048x256xf32, #tpu.memory_space<vmem>>, vector<64x256xf32>
    %dot_general3A_592 = arith.constant dense<0.000000e+00> : vector<256x256xf32>
    %dot_general3A_593 = tpu.matmul %mul3A_588, %get3A_591, %dot_general3A_592 {dimension_numbers = #tpu.dot_dimension_numbers<[1], [0], [0], [1], [0, 0, 1, 1], [], []>, transpose_lhs_hint = false} : vector<256x64xf32>, vector<64x256xf32>, vector<256x256xf32> -> vector<256x256xf32>
    %add3A_594 = arith.addf %add3A_573, %dot_general3A_593 : vector<256x256xf32>
    %slice3A_595 = vector.extract_strided_slice %get3A_1 {offsets = [0, 27], sizes = [256, 1], strides = [1, 1]} : vector<256x32xf32> to vector<256x1xf32>
    %slice3A_596 = vector.extract_strided_slice %get3A_4 {offsets = [0, 27], sizes = [256, 1], strides = [1, 1]} : vector<256x32xi32> to vector<256x1xi32>
    %eq3A_597 = vector.broadcast %slice3A_596 : vector<256x1xi32> to vector<256x64xi32>
    %eq3A_598 = arith.cmpi eq, %iota3A_30, %eq3A_597 : vector<256x64xi32>
    %slice3A_599 = vector.extract_strided_slice %get3A_7 {offsets = [0, 27], sizes = [256, 1], strides = [1, 1]} : vector<256x32xi32> to vector<256x1xi32>
    %add3A_600 = arith.constant 38 : i32
    %add3A_601 = vector.broadcast %add3A_600 : i32 to vector<256x1xi32>
    %add3A_602 = arith.addi %slice3A_599, %add3A_601 : vector<256x1xi32>
    %eq3A_603 = vector.broadcast %add3A_602 : vector<256x1xi32> to vector<256x64xi32>
    %eq3A_604 = arith.cmpi eq, %iota3A_30, %eq3A_603 : vector<256x64xi32>
    %or3A_605 = arith.ori %eq3A_598, %eq3A_604 : vector<256x64xi1>
    %convert_element_type3A_606 = arith.extui %or3A_605 : vector<256x64xi1> to vector<256x64xi32>
    %convert_element_type3A_607 = arith.sitofp %convert_element_type3A_606 : vector<256x64xi32> to vector<256x64xf32>
    %mul3A_608 = vector.broadcast %slice3A_595 : vector<256x1xf32> to vector<256x64xf32>
    %mul3A_609 = arith.mulf %convert_element_type3A_607, %mul3A_608 : vector<256x64xf32>
    %get3A_610 = arith.constant 1728 : index
    %get3A_611 = arith.constant 0 : index
    %get3A_612 = vector.load %arg9[%get3A_610, %get3A_611] : memref<2048x256xf32, #tpu.memory_space<vmem>>, vector<64x256xf32>
    %dot_general3A_613 = arith.constant dense<0.000000e+00> : vector<256x256xf32>
    %dot_general3A_614 = tpu.matmul %mul3A_609, %get3A_612, %dot_general3A_613 {dimension_numbers = #tpu.dot_dimension_numbers<[1], [0], [0], [1], [0, 0, 1, 1], [], []>, transpose_lhs_hint = false} : vector<256x64xf32>, vector<64x256xf32>, vector<256x256xf32> -> vector<256x256xf32>
    %add3A_615 = arith.addf %add3A_594, %dot_general3A_614 : vector<256x256xf32>
    %slice3A_616 = vector.extract_strided_slice %get3A_1 {offsets = [0, 28], sizes = [256, 1], strides = [1, 1]} : vector<256x32xf32> to vector<256x1xf32>
    %slice3A_617 = vector.extract_strided_slice %get3A_4 {offsets = [0, 28], sizes = [256, 1], strides = [1, 1]} : vector<256x32xi32> to vector<256x1xi32>
    %eq3A_618 = vector.broadcast %slice3A_617 : vector<256x1xi32> to vector<256x64xi32>
    %eq3A_619 = arith.cmpi eq, %iota3A_30, %eq3A_618 : vector<256x64xi32>
    %slice3A_620 = vector.extract_strided_slice %get3A_7 {offsets = [0, 28], sizes = [256, 1], strides = [1, 1]} : vector<256x32xi32> to vector<256x1xi32>
    %add3A_621 = arith.constant 38 : i32
    %add3A_622 = vector.broadcast %add3A_621 : i32 to vector<256x1xi32>
    %add3A_623 = arith.addi %slice3A_620, %add3A_622 : vector<256x1xi32>
    %eq3A_624 = vector.broadcast %add3A_623 : vector<256x1xi32> to vector<256x64xi32>
    %eq3A_625 = arith.cmpi eq, %iota3A_30, %eq3A_624 : vector<256x64xi32>
    %or3A_626 = arith.ori %eq3A_619, %eq3A_625 : vector<256x64xi1>
    %convert_element_type3A_627 = arith.extui %or3A_626 : vector<256x64xi1> to vector<256x64xi32>
    %convert_element_type3A_628 = arith.sitofp %convert_element_type3A_627 : vector<256x64xi32> to vector<256x64xf32>
    %mul3A_629 = vector.broadcast %slice3A_616 : vector<256x1xf32> to vector<256x64xf32>
    %mul3A_630 = arith.mulf %convert_element_type3A_628, %mul3A_629 : vector<256x64xf32>
    %get3A_631 = arith.constant 1792 : index
    %get3A_632 = arith.constant 0 : index
    %get3A_633 = vector.load %arg9[%get3A_631, %get3A_632] : memref<2048x256xf32, #tpu.memory_space<vmem>>, vector<64x256xf32>
    %dot_general3A_634 = arith.constant dense<0.000000e+00> : vector<256x256xf32>
    %dot_general3A_635 = tpu.matmul %mul3A_630, %get3A_633, %dot_general3A_634 {dimension_numbers = #tpu.dot_dimension_numbers<[1], [0], [0], [1], [0, 0, 1, 1], [], []>, transpose_lhs_hint = false} : vector<256x64xf32>, vector<64x256xf32>, vector<256x256xf32> -> vector<256x256xf32>
    %add3A_636 = arith.addf %add3A_615, %dot_general3A_635 : vector<256x256xf32>
    %slice3A_637 = vector.extract_strided_slice %get3A_1 {offsets = [0, 29], sizes = [256, 1], strides = [1, 1]} : vector<256x32xf32> to vector<256x1xf32>
    %slice3A_638 = vector.extract_strided_slice %get3A_4 {offsets = [0, 29], sizes = [256, 1], strides = [1, 1]} : vector<256x32xi32> to vector<256x1xi32>
    %eq3A_639 = vector.broadcast %slice3A_638 : vector<256x1xi32> to vector<256x64xi32>
    %eq3A_640 = arith.cmpi eq, %iota3A_30, %eq3A_639 : vector<256x64xi32>
    %slice3A_641 = vector.extract_strided_slice %get3A_7 {offsets = [0, 29], sizes = [256, 1], strides = [1, 1]} : vector<256x32xi32> to vector<256x1xi32>
    %add3A_642 = arith.constant 38 : i32
    %add3A_643 = vector.broadcast %add3A_642 : i32 to vector<256x1xi32>
    %add3A_644 = arith.addi %slice3A_641, %add3A_643 : vector<256x1xi32>
    %eq3A_645 = vector.broadcast %add3A_644 : vector<256x1xi32> to vector<256x64xi32>
    %eq3A_646 = arith.cmpi eq, %iota3A_30, %eq3A_645 : vector<256x64xi32>
    %or3A_647 = arith.ori %eq3A_640, %eq3A_646 : vector<256x64xi1>
    %convert_element_type3A_648 = arith.extui %or3A_647 : vector<256x64xi1> to vector<256x64xi32>
    %convert_element_type3A_649 = arith.sitofp %convert_element_type3A_648 : vector<256x64xi32> to vector<256x64xf32>
    %mul3A_650 = vector.broadcast %slice3A_637 : vector<256x1xf32> to vector<256x64xf32>
    %mul3A_651 = arith.mulf %convert_element_type3A_649, %mul3A_650 : vector<256x64xf32>
    %get3A_652 = arith.constant 1856 : index
    %get3A_653 = arith.constant 0 : index
    %get3A_654 = vector.load %arg9[%get3A_652, %get3A_653] : memref<2048x256xf32, #tpu.memory_space<vmem>>, vector<64x256xf32>
    %dot_general3A_655 = arith.constant dense<0.000000e+00> : vector<256x256xf32>
    %dot_general3A_656 = tpu.matmul %mul3A_651, %get3A_654, %dot_general3A_655 {dimension_numbers = #tpu.dot_dimension_numbers<[1], [0], [0], [1], [0, 0, 1, 1], [], []>, transpose_lhs_hint = false} : vector<256x64xf32>, vector<64x256xf32>, vector<256x256xf32> -> vector<256x256xf32>
    %add3A_657 = arith.addf %add3A_636, %dot_general3A_656 : vector<256x256xf32>
    %slice3A_658 = vector.extract_strided_slice %get3A_1 {offsets = [0, 30], sizes = [256, 1], strides = [1, 1]} : vector<256x32xf32> to vector<256x1xf32>
    %slice3A_659 = vector.extract_strided_slice %get3A_4 {offsets = [0, 30], sizes = [256, 1], strides = [1, 1]} : vector<256x32xi32> to vector<256x1xi32>
    %eq3A_660 = vector.broadcast %slice3A_659 : vector<256x1xi32> to vector<256x64xi32>
    %eq3A_661 = arith.cmpi eq, %iota3A_30, %eq3A_660 : vector<256x64xi32>
    %slice3A_662 = vector.extract_strided_slice %get3A_7 {offsets = [0, 30], sizes = [256, 1], strides = [1, 1]} : vector<256x32xi32> to vector<256x1xi32>
    %add3A_663 = arith.constant 38 : i32
    %add3A_664 = vector.broadcast %add3A_663 : i32 to vector<256x1xi32>
    %add3A_665 = arith.addi %slice3A_662, %add3A_664 : vector<256x1xi32>
    %eq3A_666 = vector.broadcast %add3A_665 : vector<256x1xi32> to vector<256x64xi32>
    %eq3A_667 = arith.cmpi eq, %iota3A_30, %eq3A_666 : vector<256x64xi32>
    %or3A_668 = arith.ori %eq3A_661, %eq3A_667 : vector<256x64xi1>
    %convert_element_type3A_669 = arith.extui %or3A_668 : vector<256x64xi1> to vector<256x64xi32>
    %convert_element_type3A_670 = arith.sitofp %convert_element_type3A_669 : vector<256x64xi32> to vector<256x64xf32>
    %mul3A_671 = vector.broadcast %slice3A_658 : vector<256x1xf32> to vector<256x64xf32>
    %mul3A_672 = arith.mulf %convert_element_type3A_670, %mul3A_671 : vector<256x64xf32>
    %get3A_673 = arith.constant 1920 : index
    %get3A_674 = arith.constant 0 : index
    %get3A_675 = vector.load %arg9[%get3A_673, %get3A_674] : memref<2048x256xf32, #tpu.memory_space<vmem>>, vector<64x256xf32>
    %dot_general3A_676 = arith.constant dense<0.000000e+00> : vector<256x256xf32>
    %dot_general3A_677 = tpu.matmul %mul3A_672, %get3A_675, %dot_general3A_676 {dimension_numbers = #tpu.dot_dimension_numbers<[1], [0], [0], [1], [0, 0, 1, 1], [], []>, transpose_lhs_hint = false} : vector<256x64xf32>, vector<64x256xf32>, vector<256x256xf32> -> vector<256x256xf32>
    %add3A_678 = arith.addf %add3A_657, %dot_general3A_677 : vector<256x256xf32>
    %slice3A_679 = vector.extract_strided_slice %get3A_1 {offsets = [0, 31], sizes = [256, 1], strides = [1, 1]} : vector<256x32xf32> to vector<256x1xf32>
    %slice3A_680 = vector.extract_strided_slice %get3A_4 {offsets = [0, 31], sizes = [256, 1], strides = [1, 1]} : vector<256x32xi32> to vector<256x1xi32>
    %eq3A_681 = vector.broadcast %slice3A_680 : vector<256x1xi32> to vector<256x64xi32>
    %eq3A_682 = arith.cmpi eq, %iota3A_30, %eq3A_681 : vector<256x64xi32>
    %slice3A_683 = vector.extract_strided_slice %get3A_7 {offsets = [0, 31], sizes = [256, 1], strides = [1, 1]} : vector<256x32xi32> to vector<256x1xi32>
    %add3A_684 = arith.constant 38 : i32
    %add3A_685 = vector.broadcast %add3A_684 : i32 to vector<256x1xi32>
    %add3A_686 = arith.addi %slice3A_683, %add3A_685 : vector<256x1xi32>
    %eq3A_687 = vector.broadcast %add3A_686 : vector<256x1xi32> to vector<256x64xi32>
    %eq3A_688 = arith.cmpi eq, %iota3A_30, %eq3A_687 : vector<256x64xi32>
    %or3A_689 = arith.ori %eq3A_682, %eq3A_688 : vector<256x64xi1>
    %convert_element_type3A_690 = arith.extui %or3A_689 : vector<256x64xi1> to vector<256x64xi32>
    %convert_element_type3A_691 = arith.sitofp %convert_element_type3A_690 : vector<256x64xi32> to vector<256x64xf32>
    %mul3A_692 = vector.broadcast %slice3A_679 : vector<256x1xf32> to vector<256x64xf32>
    %mul3A_693 = arith.mulf %convert_element_type3A_691, %mul3A_692 : vector<256x64xf32>
    %get3A_694 = arith.constant 1984 : index
    %get3A_695 = arith.constant 0 : index
    %get3A_696 = vector.load %arg9[%get3A_694, %get3A_695] : memref<2048x256xf32, #tpu.memory_space<vmem>>, vector<64x256xf32>
    %dot_general3A_697 = arith.constant dense<0.000000e+00> : vector<256x256xf32>
    %dot_general3A_698 = tpu.matmul %mul3A_693, %get3A_696, %dot_general3A_697 {dimension_numbers = #tpu.dot_dimension_numbers<[1], [0], [0], [1], [0, 0, 1, 1], [], []>, transpose_lhs_hint = false} : vector<256x64xf32>, vector<64x256xf32>, vector<256x256xf32> -> vector<256x256xf32>
    %add3A_699 = arith.addf %add3A_678, %dot_general3A_698 : vector<256x256xf32>
    %swap3A = arith.constant 0 : index
    %swap3A_700 = arith.constant 0 : index
    %swap3A_701 = vector.load %arg14[%swap3A, %swap3A_700] : memref<256x256xf32, #tpu.memory_space<vmem>>, vector<256x256xf32>
    tpu.vector_store %arg14[%swap3A, %swap3A_700], %add3A_699 {strides = array<i32>} : memref<256x256xf32, #tpu.memory_space<vmem>>, vector<256x256xf32>,
    %get3A_702 = arith.constant 0 : index
    %get3A_703 = arith.constant 0 : index
    %get3A_704 = vector.load %arg12[%get3A_702, %get3A_703] : memref<32x64xf32, #tpu.memory_space<vmem>>, vector<32x64xf32>
    %get3A_705 = arith.constant 0 : index
    %get3A_706 = arith.constant 0 : index
    %get3A_707 = vector.load %arg4[%get3A_705, %get3A_706] : memref<256x32xf32, #tpu.memory_space<vmem>>, vector<256x32xf32>
    %dot_general3A_708 = arith.constant dense<0.000000e+00> : vector<256x64xf32>
    %dot_general3A_709 = tpu.matmul %get3A_707, %get3A_704, %dot_general3A_708 {dimension_numbers = #tpu.dot_dimension_numbers<[1], [0], [0], [1], [0, 0, 1, 1], [], []>, transpose_lhs_hint = false} : vector<256x32xf32>, vector<32x64xf32>, vector<256x64xf32> -> vector<256x64xf32>
    %get3A_710 = arith.constant 0 : index
    %get3A_711 = arith.constant 0 : index
    %get3A_712 = vector.load %arg5[%get3A_710, %get3A_711] : memref<256x32xf32, #tpu.memory_space<vmem>>, vector<256x32xf32>
    %dot_general3A_713 = arith.constant dense<0.000000e+00> : vector<256x64xf32>
    %dot_general3A_714 = tpu.matmul %get3A_712, %get3A_704, %dot_general3A_713 {dimension_numbers = #tpu.dot_dimension_numbers<[1], [0], [0], [1], [0, 0, 1, 1], [], []>, transpose_lhs_hint = false} : vector<256x32xf32>, vector<32x64xf32>, vector<256x64xf32> -> vector<256x64xf32>
    %get3A_715 = arith.constant 0 : index
    %get3A_716 = arith.constant 0 : index
    %get3A_717 = vector.load %arg6[%get3A_715, %get3A_716] : memref<256x32xf32, #tpu.memory_space<vmem>>, vector<256x32xf32>
    %dot_general3A_718 = arith.constant dense<0.000000e+00> : vector<256x64xf32>
    %dot_general3A_719 = tpu.matmul %get3A_717, %get3A_704, %dot_general3A_718 {dimension_numbers = #tpu.dot_dimension_numbers<[1], [0], [0], [1], [0, 0, 1, 1], [], []>, transpose_lhs_hint = false} : vector<256x32xf32>, vector<32x64xf32>, vector<256x64xf32> -> vector<256x64xf32>
    %concatenate3A = tpu.concatenate %dot_general3A_709, %dot_general3A_714, %dot_general3A_719 in 1 : vector<256x64xf32>, vector<256x64xf32>, vector<256x64xf32> -> vector<256x192xf32>
    %swap3A_720 = arith.constant 0 : index
    %swap3A_721 = arith.constant 0 : index
    %swap3A_722 = vector.load %arg13[%swap3A_720, %swap3A_721] : memref<256x192xf32, #tpu.memory_space<vmem>>, vector<256x192xf32>
    tpu.vector_store %arg13[%swap3A_720, %swap3A_721], %concatenate3A {strides = array<i32>} : memref<256x192xf32, #tpu.memory_space<vmem>>, vector<256x192xf32>,
    return
  }
  func.func @transform_0(%arg0: i32) -> (i32, i32) {
    %c0_i32 = arith.constant 0 : i32
    %c0_i32_0 = arith.constant 0 : i32
    return %arg0, %c0_i32 : i32, i32
  }
  func.func @transform_1(%arg0: i32) -> (i32, i32) {
    %c0_i32 = arith.constant 0 : i32
    %c0_i32_0 = arith.constant 0 : i32
    return %arg0, %c0_i32 : i32, i32
  }
  func.func @transform_2(%arg0: i32) -> (i32, i32) {
    %c0_i32 = arith.constant 0 : i32
    %c0_i32_0 = arith.constant 0 : i32
    return %arg0, %c0_i32 : i32, i32
  }
  func.func @transform_3(%arg0: i32) -> (i32, i32) {
    %c0_i32 = arith.constant 0 : i32
    %c0_i32_0 = arith.constant 0 : i32
    return %arg0, %c0_i32 : i32, i32
  }
  func.func @transform_4(%arg0: i32) -> (i32, i32) {
    %c0_i32 = arith.constant 0 : i32
    %c0_i32_0 = arith.constant 0 : i32
    return %arg0, %c0_i32 : i32, i32
  }
  func.func @transform_5(%arg0: i32) -> (i32, i32) {
    %c0_i32 = arith.constant 0 : i32
    %c0_i32_0 = arith.constant 0 : i32
    return %arg0, %c0_i32 : i32, i32
  }
  func.func @transform_6(%arg0: i32) -> (i32, i32) {
    %c0_i32 = arith.constant 0 : i32
    %c0_i32_0 = arith.constant 0 : i32
    return %arg0, %c0_i32 : i32, i32
  }
  func.func @transform_7(%arg0: i32) -> (i32, i32) {
    %c0_i32 = arith.constant 0 : i32
    %c0_i32_0 = arith.constant 0 : i32
    return %arg0, %c0_i32 : i32, i32
  }
  func.func @transform_8(%arg0: i32) -> (i32, i32) {
    %c0_i32 = arith.constant 0 : i32
    %c0_i32_0 = arith.constant 0 : i32
    %c0_i32_1 = arith.constant 0 : i32
    return %c0_i32, %c0_i32_0 : i32, i32
  }
  func.func @transform_9(%arg0: i32) -> (i32, i32) {
    %c0_i32 = arith.constant 0 : i32
    %c0_i32_0 = arith.constant 0 : i32
    %c0_i32_1 = arith.constant 0 : i32
    return %c0_i32, %c0_i32_0 : i32, i32
  }
  func.func @transform_10(%arg0: i32) -> (i32, i32) {
    %c0_i32 = arith.constant 0 : i32
    %c0_i32_0 = arith.constant 0 : i32
    %c0_i32_1 = arith.constant 0 : i32
    return %c0_i32, %c0_i32_0 : i32, i32
  }
  func.func @transform_11(%arg0: i32) -> (i32, i32) {
    %c0_i32 = arith.constant 0 : i32
    %c0_i32_0 = arith.constant 0 : i32
    %c0_i32_1 = arith.constant 0 : i32
    return %c0_i32, %c0_i32_0 : i32, i32
  }
  func.func @transform_12(%arg0: i32) -> (i32, i32) {
    %c0_i32 = arith.constant 0 : i32
    %c0_i32_0 = arith.constant 0 : i32
    return %arg0, %c0_i32 : i32, i32
  }
  func.func @transform_13(%arg0: i32) -> (i32, i32) {
    %c0_i32 = arith.constant 0 : i32
    %c0_i32_0 = arith.constant 0 : i32
    return %arg0, %c0_i32 : i32, i32
  }
}

</mosaic_0001>

<sc_bundles>
// kernel: gather_offload_async_start.1
scs
__scs_entry_jumppad:
0x0: {  	(pc) =	sbr.rel $0x88, $3  }
0x1: {  	(tag) =	ssettag $0x0;
	lr =	simm.s32 $0x1  }
0x2: {  	[smem:$0x3F94] =	sst lr;
	_ =	strace $0xD0000000  }
0x3: {  	_ = 	snop  }
0x4: {  	_ = 	snop  }
0x5: {  	_ = 	snop  }
0x6: {  	_ = 	snop  }
0x7: {  	_ = 	snop  }
__scs_overlays_trampoline_lowered:
0x8: {  	[smem:$0x3FA3] =	sst s0  }
0x9: {  	[smem:$0x3FA4] =	sst s1  }
0xa: {  	[smem:$0x3FA5] =	sst s2  }
0xb: {  	[smem:$0x3FA6] =	sst s3  }
0xc: {  	[smem:$0x3FA7] =	sst s4  }
0xd: {  	[smem:$0x3FA8] =	sst s5  }
0xe: {  	[smem:$0x3FA9] =	sst s6  }
0xf: {  	[smem:$0x3FAA] =	sst s7  }
0x10: {  	[smem:$0x3FAB] =	sst s8  }
0x11: {  	[smem:$0x3FAC] =	sst s9;
	s0 =	simm.s32 @!p0 $0x0  }
0x12: {  	s1 =	sld [smem:$0x3F92];
	s0 =	simm.s32 @p0 $0x1  }
0x13: {  	[smem:$0x3FAD] =	sst s0;
	s0 =	simm.s32 @!p1 $0x0  }
0x14: {  	s2 =	sld [smem:$0x3F91];
	s0 =	simm.s32 @p1 $0x1  }
0x15: {  	[smem:$0x3FAE] =	sst s0;
	s0 =	simm.s32 @!p2 $0x0  }
0x16: {  	s3 =	sld [smem:$0x3FDB];
	s0 =	simm.s32 @p2 $0x1  }
0x17: {  	s4 =	simm.s32 $0x1BF5;
	[smem:$0x3FB0] =	sst s0  }
0x18: {  	s0 =	sld [smem:$0x3F93];
	_ =	swait.ge [sflag:s4], $0x0  }
0x19: {  	s7 =	sld [smem:$0x3F94]  }
0x1a: {  	s8 =	sadd.s32 $0xFFFFE003, lr  }
0x1b: {  	s9 =	sadd.s32 $0xFFFFFEF7, lr;
	s5 =	simm.s32 $0xFFFFFFFF;
	p2 =	slt.u32 s8, $0xFFFFF086  }
0x1c: {  	p1 =	slt.u32 s9, $0xF7A;
	s5 =	simm.s32 @!p2 $0x0  }
0x1d: {  	s5 =	simm.s32 @p1 $0x1;
	p0 =	seq.s32 s7, s2  }
0x1e: {  	s7 =	smul.u32 @!p0 $0xF7A, s2;
	p2 =	seq.s32 @!p0 s5, $0x0  }
0x1f: {  	s9 =	smul.u32 $0xF7A, s1;
	s8 =	simm.s32 @!p0 $0x1BF5;
	p2 =	por !p2, p0  }
0x20: {  	[sflag:s8] =	ssyncset.s32 @!p0 $0xFFFFF086;
	s6 =	sadd.s32 @!p0 s3, s7;
	s7 =	simm.s32 @!p0 $0x108  }
0x21: {  	s3 =	sadd.s32 s3, s9;
	s6 =	sadd.s32 @!p0 $0x88, s6;
	s7 =	simm.s32 @p2 $0x1082  }
0x22: {  	[simem:s7], [sflag:s8] =	dma.local @!p0 [hbm:s6], $0xF7A  }
0x23: {  	s9 =	sor.u32 $0xD0000000, s2;
	s6 =	simm.s32 $0x108;
	_ =	swait.ge @!p0 [sflag:s8], $0x0  }
0x24: {  	s3 =	sadd.s32 $0x88, s3;
	s6 =	simm.s32 @!p1 $0x1082;
	[sflag:s4] =	ssyncset.s32 $0xFFFFF086  }
0x25: {  	[simem:s6], [sflag:s4] =	dma.local [hbm:s3], $0xF7A  }
0x26: {  	[smem:$0x3F94] =	sst s1;
	(tag) =	ssettag s2;
	_ =	strace s9  }
0x27: {  	s1 =	sld [smem:$0x3FA4]  }
0x28: {  	s2 =	sld [smem:$0x3FA5]  }
0x29: {  	s4 =	sld [smem:$0x3FA7]  }
0x2a: {  	p0 =	seq.s32 s5, $0x0;
	s5 =	sld [smem:$0x3FA8]  }
0x2b: {  	s6 =	sld [smem:$0x3FA9]  }
0x2c: {  	s7 =	sld [smem:$0x3FAA]  }
0x2d: {  	s3 =	simm.s32 $0x108;
	s8 =	sld [smem:$0x3FAB]  }
0x2e: {  	s3 =	simm.s32 @!p0 $0x1082;
	s9 =	sld [smem:$0x3FAC]  }
0x2f: {  	lr =	sadd.s32 s0, s3;
	s0 =	sld [smem:$0x3FA3]  }
0x30: {  	s3 =	sld [smem:$0x3FA6]  }
0x31: {  	[smem:$0x3FAF] =	sst s10  }
0x32: {  	s10 =	sld [smem:$0x3FAD];
	_ =	sdelay $0x3  }
0x33: {  	p0 =	seq.s32 s10, $0x1;
	s10 =	sld [smem:$0x3FAF];
	_ =	sdelay $0x3  }
0x34: {  	[smem:$0x3FAF] =	sst s10  }
0x35: {  	s10 =	sld [smem:$0x3FAE];
	_ =	sdelay $0x3  }
0x36: {  	p1 =	seq.s32 s10, $0x1;
	s10 =	sld [smem:$0x3FAF];
	_ =	sdelay $0x3  }
0x37: {  	[smem:$0x3FAF] =	sst s10  }
0x38: {  	s10 =	sld [smem:$0x3FB0]  }
0x39: {  	_ = 	snop;
	(pc) =	sbr.ind lr, $3  }
0x3a: {  	_ = 	snop  }
0x3b: {  	_ = 	snop  }
0x3c: {  	p2 =	seq.s32 s10, $0x1;
	s10 =	sld [smem:$0x3FAF]  }
0x3d: {  	_ =	shalt  }
0x3e: {  	_ =	shalt  }
0x3f: {  	_ =	shalt  }
0x40: {  	_ =	shalt  }
0x41: {  	_ =	shalt  }
0x42: {  	_ =	shalt  }
0x43: {  	_ =	shalt  }
0x44: {  	_ =	shalt  }
0x45: {  	_ =	shalt  }
0x46: {  	_ =	shalt  }
0x47: {  	_ =	shalt  }
0x48: {  	_ =	shalt  }
0x49: {  	_ =	shalt  }
0x4a: {  	_ =	shalt  }
0x4b: {  	_ =	shalt  }
0x4c: {  	_ =	shalt  }
0x4d: {  	_ =	shalt  }
0x4e: {  	_ =	shalt  }
0x4f: {  	_ =	shalt  }
0x50: {  	_ =	shalt  }
0x51: {  	_ =	shalt  }
0x52: {  	_ =	shalt  }
0x53: {  	_ =	shalt  }
0x54: {  	_ =	shalt  }
0x55: {  	_ =	shalt  }
0x56: {  	_ =	shalt  }
0x57: {  	_ =	shalt  }
0x58: {  	_ =	shalt  }
0x59: {  	_ =	shalt  }
0x5a: {  	_ =	shalt  }
0x5b: {  	_ =	shalt  }
0x5c: {  	_ =	shalt  }
0x5d: {  	_ =	shalt  }
0x5e: {  	_ =	shalt  }
0x5f: {  	_ =	shalt  }
0x60: {  	_ =	shalt  }
0x61: {  	_ =	shalt  }
0x62: {  	_ =	shalt  }
0x63: {  	_ =	shalt  }
0x64: {  	_ =	shalt  }
0x65: {  	_ =	shalt  }
0x66: {  	_ =	shalt  }
0x67: {  	_ =	shalt  }
0x68: {  	_ =	shalt  }
0x69: {  	_ =	shalt  }
0x6a: {  	_ =	shalt  }
0x6b: {  	_ =	shalt  }
0x6c: {  	_ =	shalt  }
0x6d: {  	_ =	shalt  }
0x6e: {  	_ =	shalt  }
0x6f: {  	_ =	shalt  }
0x70: {  	_ =	shalt  }
0x71: {  	_ =	shalt  }
0x72: {  	_ =	shalt  }
0x73: {  	_ =	shalt  }
0x74: {  	_ =	shalt  }
0x75: {  	_ =	shalt  }
0x76: {  	_ =	shalt  }
0x77: {  	_ =	shalt  }
0x78: {  	_ =	shalt  }
0x79: {  	_ =	shalt  }
0x7a: {  	_ =	shalt  }
0x7b: {  	_ =	shalt  }
0x7c: {  	_ =	shalt  }
0x7d: {  	_ =	shalt  }
0x7e: {  	_ =	shalt  }
0x7f: {  	_ =	shalt  }
0x80: {  	_ =	shalt  }
0x81: {  	_ =	shalt  }
0x82: {  	_ =	shalt  }
0x83: {  	_ =	shalt  }
0x84: {  	_ =	shalt  }
0x85: {  	_ =	shalt  }
0x86: {  	_ =	shalt  }
0x87: {  	_ =	shalt  }
.Lfunc_end0:
.L_simem_size_0:
called_computation.1_lowered:
.L_overlay_start_0:
0x88: {  	s2 =	sld [smem:$0x3FD9]  }
0x89: {  	s3 =	sld [smem:$0x3FFE];
	_ =	sdelay $0x1  }
0x8a: {  	s1 =	srdreg.scid  }
0x8b: {  	s0 =	sand.u32 $0x1, s1  }
0x8c: {  	s17 =	sshll.u32 s0, $0xA;
	s2 =	sadd.s32 s3, s2  }
0x8d: {  	s2 =	sadd.s32 s2, s17  }
0x8e: {  	[smem:$0x3FBB] =	sst s2  }
0x8f: {  	_ = 	snop  }
0x90: {  	s2 =	sld [smem:$0x3FC8];
	(tm) =	ssettm $0x1  }
0x91: {  	s18 =	sld [smem:$0x3FFB];
	_ =	sdelay $0x3  }
0x92: {  	_ =	strace s18  }
0x93: {  	s3 =	sld [smem:$0x3FFC];
	_ =	sdelay $0x3  }
0x94: {  	_ =	strace s3  }
0x95: {  	s3 =	sld [smem:$0x3FFD];
	_ =	sdelay $0x3  }
0x96: {  	_ =	strace s3  }
0x97: {  	_ =	strace $0x8FFFFFFF  }
0x98: {  	s19 =	sld [smem:$0x3FDB];
	_ =	sdelay $0x1  }
0x99: {  	s4 =	simm.s32 $_scs_section_size  }
0x9a: {  	s5 =	simm.s32 $_size__tile_overlayer_lowered;
	s6 =	simm.s32 $_tile_overlayer_lowered  }
0x9b: {  	s22 =	simm.s32 $0x1BFF;
	s21 =	sshll.u32 s6, $0x1;
	s3 =	sadd.s32 s4, s19  }
0x9c: {  	s7 =	simm.s32 $0x0;
	s20 =	sshll.u32 s5, $0x1;
	s5 =	sadd.s32 s21, s3  }
0x9d: {  	[timem:s7], [sflag:s22] =	dma.local [hbm:s5], s20  }
0x9e: {  	_ =	swait.ge [sflag:s22], s20  }
0x9f: {  	s4 =	ssub.s32 $0x0, s20;
	[sflag:s22] =	ssyncset.done $0x0  }
0xa0: {  	[sflag:s22] =	ssyncadd.s32 s4;
	_ =	sdelay $0x1  }
0xa1: {  	s23 =	simm.s32 $0x1B8B  }
0xa2: {  	_ =	swait.ge [sflag:s23], $0x1  }
0xa3: {  	[sflag:s23] =	ssyncset.done $0x0  }
0xa4: {  	s25 =	simm.s32 $0x1B8E;
	s24 =	sld [smem:$0x3FFE];
	[sflag:s23] =	ssyncadd.s32 $0xFFFFFFFF  }
0xa5: {  	s26 =	simm.s32 $execute0_lowered;
	[smem:$0x3FD2] =	sst s25  }
0xa6: {  	s5 =	sshll.u32 s26, $0x1;
	_ =	strace $0x80000049;
	[dreg:$0x1] =	wrdreg $0xFFFFFFFF  }
0xa7: {  	s28 =	simm.s32 $_size_execute0_lowered;
	s3 =	sadd.s32 s3, s5;
	[dreg:$0x0] =	wrdreg $0x0  }
0xa8: {  	s5 =	sshll.u32 s28, $0x1;
	[dreg:$0x2] =	wrdreg s3  }
0xa9: {  	[dreg:$0x3] =	wrdreg s5  }
0xaa: {  	[dreg:$0x4] =	wrdreg $0xC0  }
0xab: {  	_ =	task [dreg:s7], $0x5FFFF  }
0xac: {  	[dreg:$0x1] =	wrdreg $0xFFFFFFFF  }
0xad: {  	[dreg:$0x0] =	wrdreg $0x60  }
0xae: {  	[dreg:$0x2] =	wrdreg s2  }
0xaf: {  	[dreg:$0x3] =	wrdreg s24  }
0xb0: {  	[dreg:$0x4] =	wrdreg $0x9  }
0xb1: {  	_ =	task.clear_ibuf [dreg:s7], $0x5FFFF;
	_ =	strace $0x90000049  }
0xb2: {  	s29 =	simm.s32 $0x9;
	_ =	strace $0x8000004B  }
0xb3: {  	_ =	swait.ge [sflag:s29], $0x1  }
0xb4: {  	[sflag:s29] =	ssyncadd.s32 $0xFFFFFFFF  }
0xb5: {  	_ =	strace $0x9000004B  }
0xb6: {  	_ =	sfence  }
0xb7: {  	s30 =	sld [smem:$0x0];
	_ =	sdelay $0x2  }
0xb8: {  	s31 =	sshll.u32 s1, $0xD;
	s1 =	sshrl.u32 s1, $0x2  }
0xb9: {  	s3 =	sand.u32 $0x4000, s31;
	s1 =	sadd.s32 s1, s30  }
0xba: {  	s0 =	sor.u32 s3, s0;
	s1 =	sshll.u32 s1, $0x11  }
0xbb: {  	s0 =	sor.u32 s1, s0  }
0xbc: {  	s0 =	sadd.s32 $0x8F2B, s0  }
0xbd: {  	[sflag:s0] =	ssyncadd.remote.s32 $0x1  }
0xbe: {  	_ =	sfence.sel $0xFFFF  }
0xbf: {  	[dreg:$0x0] =	wrdreg $0xFFFFFFFF;
	(pc) =	sbr.abs _section_cstart, $3  }
0xc0: {  	[dreg:$0x1] =	wrdreg $0xFFFFFFFF  }
0xc1: {  	_ =	task.clear_ibuf [dreg:s7], $0x2FFFF;
	_ =	strace $0x9FFFFFFF  }
0xc2: {  	(tm) =	ssettm $0x7FFFFFFF  }
0xc3: {  	_ =	shalt  }
tec
execute0_lowered:
.L_overlay_start_1:
0x0: {  	(tag) =	ssettag $0x1  }
0x1: {  	s1 =	srdreg.scid;
	s2 =	rddreg [dreg:$0x0]  }
0x2: {  	s0 =	stileid.u32;
	s5 =	rddreg [dreg:$0x1];
	s6 =	simm.s32 $0x1  }
0x3: {  	s9 =	simm.s32 $0x1;
	s10 =	simm.s32 $0x3;
	s1 =	sshll.u32 s1, $0x8  }
0x4: {  	s13 =	simm.s32 $0x0;
	s3 =	sshll.u32 s0, $0x9;
	s4 =	sand.u32 $0x100, s1  }
0x5: {  	s12 =	simm.s32 $0x0;
	s1 =	rddreg [dreg:$0x2];
	s3 =	sor.u32 s3, s4  }
0x6: {  	_ =	strace $0x8000004A;
	s4 =	sadd.s32 $0x85A00, s5;
	s8 =	ssub.s32 $0x4000, s3  }
.Ltmp0:
0x7: {  	s5 =	sadd.s32 $0x86200, s5;
	s7 =	sand.u32 $0x1F00, s8;
	(pc) =	sbr.rel .LBB2_1-.Ltmp0, $4  }
0x8: {  	[sflag:s6] =	ssyncpa.u1 $0x0;
	s11 =	smov.u32 s3;
	p0 =	sne.s32 s7, $0x0  }
0x9: {  	s8 =	sshrl.u32 s8, $0xD;
	s7 =	simm.s32 $0x2;
	s9 =	simm.s32 @!p0 $0x0  }
0xa: {  	[sflag:s7] =	ssyncpa.u1 $0x0;
	p0 =	por $0x0, $0x0;
	s8 =	sadd.s32 s9, s8  }
0xb: {  	vm0 =	vmmov $0xffff;
	[sflag:s10] =	ssyncpa.u1 $0x0;
	s10 =	simm.s32 $0x0;
	s9 =	sadd.s32 $0x1, s8  }
.LBB2_4:
0xc: {  	v2 =	vnsel vm1, $0x0, v2  }
0xd: {  	vm1 =	vgt.s32 v0, $0x0;
	v2 =	vmin.u32 v2, $0x1FFFF  }
0xe: {  	v0 =	vnsel vm1, $0x0, v0  }
0xf: {  	v0 =	vmin.u32 v0, $0x1FFFF  }
0x10: {  	[tilespmem:s15], [sflag:$0x1] =	stream.indirect_vreg.gather [hbm4b:s2+s10], $0x1, v1, vm0, $0x4038;
	[tilespmem:$0x400] =	vst v63  }
0x11: {  	(ifvalue) =	ssetifvalue $0x7FFFFFFF  }
0x12: {  	[tilespmem:s16], [sflag:$0x1] =	stream.indirect_vreg.gather [hbm4b:s2+s10], $0x1, v2, vm0, $0x4038;
	[tilespmem:$0x400] =	vst v63  }
0x13: {  	s29 =	sadd.s32 $0x10, s16;
	(ifvalue) =	ssetifvalue $0x7FFFFFFF  }
0x14: {  	[tilespmem:s29], [sflag:$0x1] =	stream.indirect_vreg.gather [hbm4b:s2+s10], $0x1, v0, vm0, $0x4038;
	[tilespmem:$0x400] =	vst v63  }
0x15: {  	_ =	swait.ge [sflag:s6], $0x100  }
0x16: {  	s30 =	sshrl.u32 s13, $0x3;
	[sflag:s6] =	ssyncset.done $0x0  }
0x17: {  	s31 =	sand.u32 $0x7, s13;
	s15 =	sadd.s32 s5, s30;
	[sflag:s6] =	ssyncadd.s32 $0xFFFFFF00  }
0x18: {  	[hbm4b:s15+s31] =	stream.linear.scatter [tilespmem:s14], [sflag:$0x3], $0x100, $0x38;
	[tilespmem:$0x400] =	vst v63  }
.LBB2_5:
0x19: {  	s15 =	sadd.s32 $0x2000, s11  }
0x1a: {  	p2 =	sgt.s32 s15, $0x3FFF  }
0x1b: {  	s15 =	smov.u32 @p2 s3;
	p2 =	sne.s32 s12, s9  }
.Ltmp1:
0x1c: {  	p1 =	slt.u32 s12, $0x2;
	(pc) =	sbr.rel @!p2 .LBB2_6-.Ltmp1, $4  }
0x1d: {  	s14 =	simm.s32 @!p1 $0x3  }
0x1e: {  	s16 =	sadd.s32 $0x1, s12;
	_ =	swait.ge @!p1 [sflag:s14], $0x100  }
0x1f: {  	s13 =	smov.u32 s11;
	p0 =	por !p0, !p0;
	[sflag:s14] =	ssyncset.done @!p1 $0x0  }
0x20: {  	s12 =	smov.u32 s16;
	s11 =	smov.u32 s15;
	[sflag:s14] =	ssyncadd.s32 @!p1 $0xFFFFFF00  }
.LBB2_1:
0x21: {  	p1 =	sge.u32 s12, s8  }
0x22: {  	s14 =	sxor.u32 @!p1 $0xFFFFFFFF, s12  }
0x23: {  	s31 =	sadd.s32 $0xFFFFFFFF, s12;
	s15 =	sshrl.u32 @!p1 s11, $0x3;
	s14 =	sshll.u32 @!p1 s14, $0x8  }
0x24: {  	s16 =	sand.u32 @!p1 $0x7, s11;
	s15 =	sadd.s32 @!p1 s4, s15;
	s14 =	sand.u32 @!p1 $0x100, s14  }
0x25: {  	[tilespmem:s14], [sflag:$0x2] =	stream.linear.gather @!p1 [hbm4b:s15+s16], $0x100, $0x38;
	[tilespmem:$0x400] =	vst v63  }
0x26: {  	p1 =	sge.u32 s31, s8  }
.Ltmp2:
0x27: {  	_ = 	snop;
	(pc) =	sbr.rel @p1 .LBB2_5-.Ltmp2, $1  }
0x28: {  	_ =	sdelay $0x3  }
0x29: {  	s14 =	simm.s32 $0x1  }
0x2a: {  	_ =	swait.ge [sflag:s7], $0x100;
	s14 =	simm.s32 @!p0 $0x0  }
0x2b: {  	[sflag:s7] =	ssyncset.done $0x0;
	s14 =	sshll.u32 s14, $0x8  }
0x2c: {  	[sflag:s7] =	ssyncadd.s32 $0xFFFFFF00;
	(ifvalue) =	ssetifvalue $0x7FFFFFFF;
	v0 =	vld.msk [tilespmem:s14+$0x0 ss:$0x1], $0xffff;
	_ =	sdelay $0x4  }
0x2d: {  	s15 =	sadd.s32 $0x10, s14;
	vm1 =	vgt.s32 v0, $0x0  }
0x2e: {  	v2 =	vld.msk [tilespmem:s15+$0x0 ss:$0x1], $0xffff;
	v1 =	vnsel vm1, $0x0, v0  }
0x2f: {  	v1 =	vmin.u32 v1, $0x1FFFF;
	_ =	sdelay $0x1  }
0x30: {  	s16 =	sshll.u32 s12, $0x8;
	s18 =	simm.s32 $0x20  }
0x31: {  	s16 =	sand.u32 $0x100, s16;
	s17 =	sadd.s32 $0x10, s15;
	s15 =	sor.u32 $0x200, s14  }
0x32: {  	s14 =	sor.u32 $0x200, s16;
	s16 =	sadd.s32 $0x10, s15;
	v0 =	vld.msk [tilespmem:s17+$0x0 ss:$0x1], $0xffff;
	vm1 =	vgt.s32 v2, $0x0;
	(ifvalue) =	ssetifvalue $0x7FFFFFFF  }
.LBB2_3:
0x33: {  	[tilespmem:s15], [sflag:$0x1] =	stream.indirect_vreg.gather [hbm4b:s2+s10], $0x1, v1, vm0, $0x4038;
	[tilespmem:$0x400] =	vst v63  }
0x34: {  	s18 =	sadd.s32 $0x10, s18  }
0x35: {  	v2 =	vnsel vm1, $0x0, v2;
	p1 =	slt.u32 s18, $0xF0  }
.Ltmp3:
0x36: {  	s15 =	smov.u32 s16;
	v1 =	vmin.u32 v2, $0x1FFFF;
	(pc) =	sbr.rel @p1 .LBB2_3-.Ltmp3, $3  }
0x37: {  	_ =	sdelay $0x1  }
0x38: {  	s17 =	sadd.s32 $0x10, s17  }
0x39: {  	vm1 =	vgt.s32 v0, $0x0;
	s16 =	sadd.s32 $0x10, s16;
	v2 =	vmov v0;
	(ifvalue) =	ssetifvalue $0x7FFFFFFF;
	v0 =	vld.msk [tilespmem:s17+$0x0 ss:$0x1], $0xffff  }
.Ltmp4:
0x3a: {  	_ = 	snop;
	(pc) =	sbr.rel .LBB2_4-.Ltmp4, $1  }
0x3b: {  	_ =	sdelay $0x3  }
.LBB2_6:
0x3c: {  	_ =	sfence.sel $0x180000  }
0x3d: {  	s2 =	simm.s32 $0x2;
	[bflag:$0x0] =	sbarrier.arrive $0xFFFF  }
0x3e: {  	s30 =	simm.s32 $0x3;
	[sflag:s2] =	ssyncpa.u1 $0x1  }
0x3f: {  	s31 =	simm.s32 $0x1;
	[sflag:s30] =	ssyncpa.u1 $0x1  }
0x40: {  	[sflag:s31] =	ssyncpa.u1 $0x1  }
0x41: {  	p0 =	sne.s32 s0, $0x0;
	_ =	strace $0x9000004A  }
0x42: {  	s0 =	sadd.s32 @!p0 $0x100000, s1;
	[bflag:$0x2] =	sbarrier.arrive $0xFFFF  }
0x43: {  	[sflag:s0] =	ssyncadd.tile.s32 @!p0 $0x1;
	_ =	shalt  }
.Lfunc_end2:
_tile_overlayer_lowered:
.L_overlay_start_2:
0x44: {  	(tag) =	ssettag $0x2  }
0x45: {  	s0 =	rddreg [dreg:$0x0];
	s2 =	stileid.u32  }
0x46: {  	s1 =	rddreg [dreg:$0x1];
	p0 =	sne.s32 s2, $0x0  }
0x47: {  	s3 =	rddreg [dreg:$0x2];
	[bflag:$0x3] =	sbarrier.arrive $0xFFFF;
	s2 =	simm.s32 @!p0 $0x1C01  }
0x48: {  	[timem:s3], [sflag:s2] =	dma.local @!p0 [hbm:s0], s1  }
0x49: {  	s0 =	simm.s32 @!p0 $0x1  }
0x4a: {  	_ =	swait.ge @!p0 [sflag:s0], s1  }
0x4b: {  	s1 =	ssub.s32 @!p0 $0x0, s1;
	[sflag:s0] =	ssyncset.done @!p0 $0x0  }
0x4c: {  	[sflag:s0] =	ssyncadd.s32 @!p0 s1  }
0x4d: {  	[bflag:$0x3] =	sbarrier.arrive $0xFFFF  }
0x4e: {  	_ =	shalt  }

// kernel: gather_offload_async_start
scs
__scs_entry_jumppad:
0x0: {  	(pc) =	sbr.rel $0x88, $3  }
0x1: {  	(tag) =	ssettag $0x0;
	lr =	simm.s32 $0x1  }
0x2: {  	[smem:$0x3F94] =	sst lr;
	_ =	strace $0xD0000000  }
0x3: {  	_ = 	snop  }
0x4: {  	_ = 	snop  }
0x5: {  	_ = 	snop  }
0x6: {  	_ = 	snop  }
0x7: {  	_ = 	snop  }
__scs_overlays_trampoline_lowered:
0x8: {  	[smem:$0x3FA3] =	sst s0  }
0x9: {  	[smem:$0x3FA4] =	sst s1  }
0xa: {  	[smem:$0x3FA5] =	sst s2  }
0xb: {  	[smem:$0x3FA6] =	sst s3  }
0xc: {  	[smem:$0x3FA7] =	sst s4  }
0xd: {  	[smem:$0x3FA8] =	sst s5  }
0xe: {  	[smem:$0x3FA9] =	sst s6  }
0xf: {  	[smem:$0x3FAA] =	sst s7  }
0x10: {  	[smem:$0x3FAB] =	sst s8  }
0x11: {  	[smem:$0x3FAC] =	sst s9;
	s0 =	simm.s32 @!p0 $0x0  }
0x12: {  	s1 =	sld [smem:$0x3F92];
	s0 =	simm.s32 @p0 $0x1  }
0x13: {  	[smem:$0x3FAD] =	sst s0;
	s0 =	simm.s32 @!p1 $0x0  }
0x14: {  	s2 =	sld [smem:$0x3F91];
	s0 =	simm.s32 @p1 $0x1  }
0x15: {  	[smem:$0x3FAE] =	sst s0;
	s0 =	simm.s32 @!p2 $0x0  }
0x16: {  	s3 =	sld [smem:$0x3FDB];
	s0 =	simm.s32 @p2 $0x1  }
0x17: {  	s4 =	simm.s32 $0x1BF5;
	[smem:$0x3FB0] =	sst s0  }
0x18: {  	s0 =	sld [smem:$0x3F93];
	_ =	swait.ge [sflag:s4], $0x0  }
0x19: {  	s7 =	sld [smem:$0x3F94]  }
0x1a: {  	s8 =	sadd.s32 $0xFFFFE003, lr  }
0x1b: {  	s9 =	sadd.s32 $0xFFFFFEF7, lr;
	s5 =	simm.s32 $0xFFFFFFFF;
	p2 =	slt.u32 s8, $0xFFFFF086  }
0x1c: {  	p1 =	slt.u32 s9, $0xF7A;
	s5 =	simm.s32 @!p2 $0x0  }
0x1d: {  	s5 =	simm.s32 @p1 $0x1;
	p0 =	seq.s32 s7, s2  }
0x1e: {  	s7 =	smul.u32 @!p0 $0xF7A, s2;
	p2 =	seq.s32 @!p0 s5, $0x0  }
0x1f: {  	s9 =	smul.u32 $0xF7A, s1;
	s8 =	simm.s32 @!p0 $0x1BF5;
	p2 =	por !p2, p0  }
0x20: {  	[sflag:s8] =	ssyncset.s32 @!p0 $0xFFFFF086;
	s6 =	sadd.s32 @!p0 s3, s7;
	s7 =	simm.s32 @!p0 $0x108  }
0x21: {  	s3 =	sadd.s32 s3, s9;
	s6 =	sadd.s32 @!p0 $0x88, s6;
	s7 =	simm.s32 @p2 $0x1082  }
0x22: {  	[simem:s7], [sflag:s8] =	dma.local @!p0 [hbm:s6], $0xF7A  }
0x23: {  	s9 =	sor.u32 $0xD0000000, s2;
	s6 =	simm.s32 $0x108;
	_ =	swait.ge @!p0 [sflag:s8], $0x0  }
0x24: {  	s3 =	sadd.s32 $0x88, s3;
	s6 =	simm.s32 @!p1 $0x1082;
	[sflag:s4] =	ssyncset.s32 $0xFFFFF086  }
0x25: {  	[simem:s6], [sflag:s4] =	dma.local [hbm:s3], $0xF7A  }
0x26: {  	[smem:$0x3F94] =	sst s1;
	(tag) =	ssettag s2;
	_ =	strace s9  }
0x27: {  	s1 =	sld [smem:$0x3FA4]  }
0x28: {  	s2 =	sld [smem:$0x3FA5]  }
0x29: {  	s4 =	sld [smem:$0x3FA7]  }
0x2a: {  	p0 =	seq.s32 s5, $0x0;
	s5 =	sld [smem:$0x3FA8]  }
0x2b: {  	s6 =	sld [smem:$0x3FA9]  }
0x2c: {  	s7 =	sld [smem:$0x3FAA]  }
0x2d: {  	s3 =	simm.s32 $0x108;
	s8 =	sld [smem:$0x3FAB]  }
0x2e: {  	s3 =	simm.s32 @!p0 $0x1082;
	s9 =	sld [smem:$0x3FAC]  }
0x2f: {  	lr =	sadd.s32 s0, s3;
	s0 =	sld [smem:$0x3FA3]  }
0x30: {  	s3 =	sld [smem:$0x3FA6]  }
0x31: {  	[smem:$0x3FAF] =	sst s10  }
0x32: {  	s10 =	sld [smem:$0x3FAD];
	_ =	sdelay $0x3  }
0x33: {  	p0 =	seq.s32 s10, $0x1;
	s10 =	sld [smem:$0x3FAF];
	_ =	sdelay $0x3  }
0x34: {  	[smem:$0x3FAF] =	sst s10  }
0x35: {  	s10 =	sld [smem:$0x3FAE];
	_ =	sdelay $0x3  }
0x36: {  	p1 =	seq.s32 s10, $0x1;
	s10 =	sld [smem:$0x3FAF];
	_ =	sdelay $0x3  }
0x37: {  	[smem:$0x3FAF] =	sst s10  }
0x38: {  	s10 =	sld [smem:$0x3FB0]  }
0x39: {  	_ = 	snop;
	(pc) =	sbr.ind lr, $3  }
0x3a: {  	_ = 	snop  }
0x3b: {  	_ = 	snop  }
0x3c: {  	p2 =	seq.s32 s10, $0x1;
	s10 =	sld [smem:$0x3FAF]  }
0x3d: {  	_ =	shalt  }
0x3e: {  	_ =	shalt  }
0x3f: {  	_ =	shalt  }
0x40: {  	_ =	shalt  }
0x41: {  	_ =	shalt  }
0x42: {  	_ =	shalt  }
0x43: {  	_ =	shalt  }
0x44: {  	_ =	shalt  }
0x45: {  	_ =	shalt  }
0x46: {  	_ =	shalt  }
0x47: {  	_ =	shalt  }
0x48: {  	_ =	shalt  }
0x49: {  	_ =	shalt  }
0x4a: {  	_ =	shalt  }
0x4b: {  	_ =	shalt  }
0x4c: {  	_ =	shalt  }
0x4d: {  	_ =	shalt  }
0x4e: {  	_ =	shalt  }
0x4f: {  	_ =	shalt  }
0x50: {  	_ =	shalt  }
0x51: {  	_ =	shalt  }
0x52: {  	_ =	shalt  }
0x53: {  	_ =	shalt  }
0x54: {  	_ =	shalt  }
0x55: {  	_ =	shalt  }
0x56: {  	_ =	shalt  }
0x57: {  	_ =	shalt  }
0x58: {  	_ =	shalt  }
0x59: {  	_ =	shalt  }
0x5a: {  	_ =	shalt  }
0x5b: {  	_ =	shalt  }
0x5c: {  	_ =	shalt  }
0x5d: {  	_ =	shalt  }
0x5e: {  	_ =	shalt  }
0x5f: {  	_ =	shalt  }
0x60: {  	_ =	shalt  }
0x61: {  	_ =	shalt  }
0x62: {  	_ =	shalt  }
0x63: {  	_ =	shalt  }
0x64: {  	_ =	shalt  }
0x65: {  	_ =	shalt  }
0x66: {  	_ =	shalt  }
0x67: {  	_ =	shalt  }
0x68: {  	_ =	shalt  }
0x69: {  	_ =	shalt  }
0x6a: {  	_ =	shalt  }
0x6b: {  	_ =	shalt  }
0x6c: {  	_ =	shalt  }
0x6d: {  	_ =	shalt  }
0x6e: {  	_ =	shalt  }
0x6f: {  	_ =	shalt  }
0x70: {  	_ =	shalt  }
0x71: {  	_ =	shalt  }
0x72: {  	_ =	shalt  }
0x73: {  	_ =	shalt  }
0x74: {  	_ =	shalt  }
0x75: {  	_ =	shalt  }
0x76: {  	_ =	shalt  }
0x77: {  	_ =	shalt  }
0x78: {  	_ =	shalt  }
0x79: {  	_ =	shalt  }
0x7a: {  	_ =	shalt  }
0x7b: {  	_ =	shalt  }
0x7c: {  	_ =	shalt  }
0x7d: {  	_ =	shalt  }
0x7e: {  	_ =	shalt  }
0x7f: {  	_ =	shalt  }
0x80: {  	_ =	shalt  }
0x81: {  	_ =	shalt  }
0x82: {  	_ =	shalt  }
0x83: {  	_ =	shalt  }
0x84: {  	_ =	shalt  }
0x85: {  	_ =	shalt  }
0x86: {  	_ =	shalt  }
0x87: {  	_ =	shalt  }
.Lfunc_end0:
.L_simem_size_0:
called_computation_lowered:
.L_overlay_start_0:
0x88: {  	s2 =	sld [smem:$0x3FD9]  }
0x89: {  	s3 =	sld [smem:$0x3FFE];
	_ =	sdelay $0x1  }
0x8a: {  	s1 =	srdreg.scid  }
0x8b: {  	s0 =	sand.u32 $0x1, s1  }
0x8c: {  	s15 =	sshll.u32 s0, $0xA;
	s2 =	sadd.s32 s3, s2  }
0x8d: {  	s2 =	sadd.s32 s2, s15  }
0x8e: {  	[smem:$0x3FBB] =	sst s2  }
0x8f: {  	_ = 	snop  }
0x90: {  	s2 =	sld [smem:$0x3FD0];
	_ =	sdelay $0x2  }
0x91: {  	s4 =	simm.s32 $0xA;
	s5 =	simm.s32 $0x10;
	s16 =	sld [smem:$0x3FC8]  }
0x92: {  	[smem:s5], [sflag:s4] =	dma.local [hbm:s2], $0x1  }
0x93: {  	_ =	swait.eq [sflag:s4], $0x1  }
0x94: {  	[sflag:s4] =	ssyncset.done $0x0  }
0x95: {  	s17 =	sld [smem:$0x10];
	[sflag:s4] =	ssyncadd.s32 $0xFFFFFFFF  }
0x96: {  	s18 =	sld [smem:$0x11];
	(tm) =	ssettm $0x1  }
0x97: {  	s19 =	sld [smem:$0x3FFB];
	_ =	sdelay $0x3  }
0x98: {  	_ =	strace s19  }
0x99: {  	s5 =	sld [smem:$0x3FFC];
	_ =	sdelay $0x3  }
0x9a: {  	_ =	strace s5  }
0x9b: {  	s5 =	sld [smem:$0x3FFD];
	_ =	sdelay $0x3  }
0x9c: {  	_ =	strace s5  }
0x9d: {  	_ =	strace $0x8FFFFFFF  }
0x9e: {  	s20 =	sld [smem:$0x3FDB];
	_ =	sdelay $0x1  }
0x9f: {  	s6 =	simm.s32 $_scs_section_size  }
0xa0: {  	s7 =	simm.s32 $_size__tile_overlayer_lowered;
	s8 =	simm.s32 $_tile_overlayer_lowered  }
0xa1: {  	s23 =	simm.s32 $0x1BFF;
	s22 =	sshll.u32 s8, $0x1;
	s5 =	sadd.s32 s6, s20  }
0xa2: {  	s9 =	simm.s32 $0x0;
	s21 =	sshll.u32 s7, $0x1;
	s7 =	sadd.s32 s22, s5  }
0xa3: {  	[timem:s9], [sflag:s23] =	dma.local [hbm:s7], s21  }
0xa4: {  	_ =	swait.ge [sflag:s23], s21  }
0xa5: {  	s6 =	ssub.s32 $0x0, s21;
	[sflag:s23] =	ssyncset.done $0x0  }
0xa6: {  	[sflag:s23] =	ssyncadd.s32 s6;
	_ =	sdelay $0x1  }
0xa7: {  	s24 =	simm.s32 $0x1B8B  }
0xa8: {  	_ =	swait.ge [sflag:s24], $0x1  }
0xa9: {  	[sflag:s24] =	ssyncset.done $0x0  }
0xaa: {  	s25 =	simm.s32 $0x1B8E;
	[sflag:s24] =	ssyncadd.s32 $0xFFFFFFFF  }
0xab: {  	s26 =	simm.s32 $execute0_lowered;
	[smem:$0x3FD2] =	sst s25  }
0xac: {  	s6 =	sshll.u32 s26, $0x1;
	_ =	strace $0x80000046;
	[dreg:$0x1] =	wrdreg $0xFFFFFFFF  }
0xad: {  	s28 =	simm.s32 $_size_execute0_lowered;
	s5 =	sadd.s32 s5, s6;
	[dreg:$0x0] =	wrdreg $0x0  }
0xae: {  	s6 =	sshll.u32 s28, $0x1;
	[dreg:$0x2] =	wrdreg s5  }
0xaf: {  	[dreg:$0x3] =	wrdreg s6  }
0xb0: {  	[dreg:$0x4] =	wrdreg $0xC0  }
0xb1: {  	_ =	task [dreg:s9], $0x5FFFF  }
0xb2: {  	[dreg:$0x1] =	wrdreg $0xFFFFFFFF  }
0xb3: {  	[dreg:$0x0] =	wrdreg $0x60  }
0xb4: {  	[dreg:$0x2] =	wrdreg s16  }
0xb5: {  	[dreg:$0x3] =	wrdreg s17  }
0xb6: {  	[dreg:$0x4] =	wrdreg s18  }
0xb7: {  	[dreg:$0x5] =	wrdreg $0x9  }
0xb8: {  	_ =	task.clear_ibuf [dreg:s9], $0x6FFFF;
	_ =	strace $0x90000046  }
0xb9: {  	s29 =	simm.s32 $0x9;
	_ =	strace $0x80000048  }
0xba: {  	_ =	swait.ge [sflag:s29], $0x1  }
0xbb: {  	[sflag:s29] =	ssyncadd.s32 $0xFFFFFFFF  }
0xbc: {  	_ =	strace $0x90000048  }
0xbd: {  	_ =	sfence  }
0xbe: {  	s30 =	sld [smem:$0x0];
	_ =	sdelay $0x2  }
0xbf: {  	s31 =	sshll.u32 s1, $0xD;
	s1 =	sshrl.u32 s1, $0x2  }
0xc0: {  	s3 =	sand.u32 $0x4000, s31;
	s1 =	sadd.s32 s1, s30  }
0xc1: {  	s0 =	sor.u32 s3, s0;
	s1 =	sshll.u32 s1, $0x11  }
0xc2: {  	s0 =	sor.u32 s1, s0  }
0xc3: {  	s0 =	sadd.s32 $0x8F2B, s0  }
0xc4: {  	[sflag:s0] =	ssyncadd.remote.s32 $0x1  }
0xc5: {  	_ =	sfence.sel $0xFFFF  }
0xc6: {  	[dreg:$0x0] =	wrdreg $0xFFFFFFFF;
	(pc) =	sbr.abs _section_cstart, $3  }
0xc7: {  	[dreg:$0x1] =	wrdreg $0xFFFFFFFF  }
0xc8: {  	_ =	task.clear_ibuf [dreg:s9], $0x2FFFF;
	_ =	strace $0x9FFFFFFF  }
0xc9: {  	(tm) =	ssettm $0x7FFFFFFF  }
tec
execute0_lowered:
.L_overlay_start_1:
0x0: {  	(tag) =	ssettag $0x1  }
0x1: {  	s1 =	srdreg.scid;
	s2 =	rddreg [dreg:$0x0]  }
0x2: {  	s0 =	stileid.u32;
	s3 =	rddreg [dreg:$0x1]  }
0x3: {  	s4 =	rddreg [dreg:$0x2];
	s6 =	simm.s32 $0x1;
	s1 =	sshll.u32 s1, $0x8  }
0x4: {  	s9 =	simm.s32 $0x1;
	s5 =	sshll.u32 s0, $0x9;
	s1 =	sand.u32 $0x100, s1  }
0x5: {  	s10 =	simm.s32 $0x3;
	s13 =	simm.s32 $0x0;
	s5 =	sor.u32 s5, s1  }
0x6: {  	s12 =	simm.s32 $0x0;
	s1 =	rddreg [dreg:$0x3];
	s8 =	ssub.s32 $0x4000, s5  }
.Ltmp0:
0x7: {  	_ =	strace $0x80000047;
	s7 =	sand.u32 $0x1F00, s8;
	(pc) =	sbr.rel .LBB2_1-.Ltmp0, $4  }
0x8: {  	[sflag:s6] =	ssyncpa.u1 $0x0;
	s11 =	smov.u32 s5;
	p0 =	sne.s32 s7, $0x0  }
0x9: {  	s8 =	sshrl.u32 s8, $0xD;
	s7 =	simm.s32 $0x2;
	s9 =	simm.s32 @!p0 $0x0  }
0xa: {  	[sflag:s7] =	ssyncpa.u1 $0x0;
	p0 =	por $0x0, $0x0;
	s8 =	sadd.s32 s9, s8  }
0xb: {  	vm0 =	vmmov $0xffff;
	[sflag:s10] =	ssyncpa.u1 $0x0;
	s10 =	simm.s32 $0x0;
	s9 =	sadd.s32 $0x1, s8  }
.LBB2_4:
0xc: {  	v2 =	vnsel vm1, $0x0, v2  }
0xd: {  	vm1 =	vgt.s32 v0, $0x0;
	v2 =	vmin.u32 v2, $0x1FFFF  }
0xe: {  	v0 =	vnsel vm1, $0x0, v0  }
0xf: {  	v0 =	vmin.u32 v0, $0x1FFFF  }
0x10: {  	[tilespmem:s15], [sflag:$0x1] =	stream.indirect_vreg.gather [hbm4b:s2+s10], $0x1, v1, vm0, $0x4038;
	[tilespmem:$0x400] =	vst v63  }
0x11: {  	(ifvalue) =	ssetifvalue $0x7FFFFFFF  }
0x12: {  	[tilespmem:s16], [sflag:$0x1] =	stream.indirect_vreg.gather [hbm4b:s2+s10], $0x1, v2, vm0, $0x4038;
	[tilespmem:$0x400] =	vst v63  }
0x13: {  	s29 =	sadd.s32 $0x10, s16;
	(ifvalue) =	ssetifvalue $0x7FFFFFFF  }
0x14: {  	[tilespmem:s29], [sflag:$0x1] =	stream.indirect_vreg.gather [hbm4b:s2+s10], $0x1, v0, vm0, $0x4038;
	[tilespmem:$0x400] =	vst v63  }
0x15: {  	_ =	swait.ge [sflag:s6], $0x100  }
0x16: {  	s30 =	sshrl.u32 s13, $0x3;
	[sflag:s6] =	ssyncset.done $0x0  }
0x17: {  	s31 =	sand.u32 $0x7, s13;
	s15 =	sadd.s32 s4, s30;
	[sflag:s6] =	ssyncadd.s32 $0xFFFFFF00  }
0x18: {  	[hbm4b:s15+s31] =	stream.linear.scatter [tilespmem:s14], [sflag:$0x3], $0x100, $0x38;
	[tilespmem:$0x400] =	vst v63  }
.LBB2_5:
0x19: {  	s15 =	sadd.s32 $0x2000, s11  }
0x1a: {  	p2 =	sgt.s32 s15, $0x3FFF  }
0x1b: {  	s15 =	smov.u32 @p2 s5;
	p2 =	sne.s32 s12, s9  }
.Ltmp1:
0x1c: {  	p1 =	slt.u32 s12, $0x2;
	(pc) =	sbr.rel @!p2 .LBB2_6-.Ltmp1, $4  }
0x1d: {  	s14 =	simm.s32 @!p1 $0x3  }
0x1e: {  	s16 =	sadd.s32 $0x1, s12;
	_ =	swait.ge @!p1 [sflag:s14], $0x100  }
0x1f: {  	s13 =	smov.u32 s11;
	p0 =	por !p0, !p0;
	[sflag:s14] =	ssyncset.done @!p1 $0x0  }
0x20: {  	s12 =	smov.u32 s16;
	s11 =	smov.u32 s15;
	[sflag:s14] =	ssyncadd.s32 @!p1 $0xFFFFFF00  }
.LBB2_1:
0x21: {  	p1 =	sge.u32 s12, s8  }
0x22: {  	s14 =	sxor.u32 @!p1 $0xFFFFFFFF, s12  }
0x23: {  	s31 =	sadd.s32 $0xFFFFFFFF, s12;
	s15 =	sshrl.u32 @!p1 s11, $0x3;
	s14 =	sshll.u32 @!p1 s14, $0x8  }
0x24: {  	s16 =	sand.u32 @!p1 $0x7, s11;
	s15 =	sadd.s32 @!p1 s3, s15;
	s14 =	sand.u32 @!p1 $0x100, s14  }
0x25: {  	[tilespmem:s14], [sflag:$0x2] =	stream.linear.gather @!p1 [hbm4b:s15+s16], $0x100, $0x38;
	[tilespmem:$0x400] =	vst v63  }
0x26: {  	p1 =	sge.u32 s31, s8  }
.Ltmp2:
0x27: {  	_ = 	snop;
	(pc) =	sbr.rel @p1 .LBB2_5-.Ltmp2, $1  }
0x28: {  	_ =	sdelay $0x3  }
0x29: {  	s14 =	simm.s32 $0x1  }
0x2a: {  	_ =	swait.ge [sflag:s7], $0x100;
	s14 =	simm.s32 @!p0 $0x0  }
0x2b: {  	[sflag:s7] =	ssyncset.done $0x0;
	s14 =	sshll.u32 s14, $0x8  }
0x2c: {  	[sflag:s7] =	ssyncadd.s32 $0xFFFFFF00;
	(ifvalue) =	ssetifvalue $0x7FFFFFFF;
	v0 =	vld.msk [tilespmem:s14+$0x0 ss:$0x1], $0xffff;
	_ =	sdelay $0x4  }
0x2d: {  	s15 =	sadd.s32 $0x10, s14;
	vm1 =	vgt.s32 v0, $0x0  }
0x2e: {  	v2 =	vld.msk [tilespmem:s15+$0x0 ss:$0x1], $0xffff;
	v1 =	vnsel vm1, $0x0, v0  }
0x2f: {  	v1 =	vmin.u32 v1, $0x1FFFF;
	_ =	sdelay $0x1  }
0x30: {  	s16 =	sshll.u32 s12, $0x8;
	s18 =	simm.s32 $0x20  }
0x31: {  	s16 =	sand.u32 $0x100, s16;
	s17 =	sadd.s32 $0x10, s15;
	s15 =	sor.u32 $0x200, s14  }
0x32: {  	s14 =	sor.u32 $0x200, s16;
	s16 =	sadd.s32 $0x10, s15;
	v0 =	vld.msk [tilespmem:s17+$0x0 ss:$0x1], $0xffff;
	vm1 =	vgt.s32 v2, $0x0;
	(ifvalue) =	ssetifvalue $0x7FFFFFFF  }
.LBB2_3:
0x33: {  	[tilespmem:s15], [sflag:$0x1] =	stream.indirect_vreg.gather [hbm4b:s2+s10], $0x1, v1, vm0, $0x4038;
	[tilespmem:$0x400] =	vst v63  }
0x34: {  	s18 =	sadd.s32 $0x10, s18  }
0x35: {  	v2 =	vnsel vm1, $0x0, v2;
	p1 =	slt.u32 s18, $0xF0  }
.Ltmp3:
0x36: {  	s15 =	smov.u32 s16;
	v1 =	vmin.u32 v2, $0x1FFFF;
	(pc) =	sbr.rel @p1 .LBB2_3-.Ltmp3, $3  }
0x37: {  	_ =	sdelay $0x1  }
0x38: {  	s17 =	sadd.s32 $0x10, s17  }
0x39: {  	vm1 =	vgt.s32 v0, $0x0;
	s16 =	sadd.s32 $0x10, s16;
	v2 =	vmov v0;
	(ifvalue) =	ssetifvalue $0x7FFFFFFF;
	v0 =	vld.msk [tilespmem:s17+$0x0 ss:$0x1], $0xffff  }
.Ltmp4:
0x3a: {  	_ = 	snop;
	(pc) =	sbr.rel .LBB2_4-.Ltmp4, $1  }
0x3b: {  	_ =	sdelay $0x3  }
.LBB2_6:
0x3c: {  	_ =	sfence.sel $0x180000  }
0x3d: {  	s2 =	simm.s32 $0x2;
	[bflag:$0x0] =	sbarrier.arrive $0xFFFF  }
0x3e: {  	s30 =	simm.s32 $0x3;
	[sflag:s2] =	ssyncpa.u1 $0x1  }
0x3f: {  	s31 =	simm.s32 $0x1;
	[sflag:s30] =	ssyncpa.u1 $0x1  }
0x40: {  	[sflag:s31] =	ssyncpa.u1 $0x1  }
0x41: {  	p0 =	sne.s32 s0, $0x0;
	_ =	strace $0x90000047  }
0x42: {  	s0 =	sadd.s32 @!p0 $0x100000, s1;
	[bflag:$0x2] =	sbarrier.arrive $0xFFFF  }
0x43: {  	[sflag:s0] =	ssyncadd.tile.s32 @!p0 $0x1;
	_ =	shalt  }
.Lfunc_end2:
_tile_overlayer_lowered:
.L_overlay_start_2:
0x44: {  	(tag) =	ssettag $0x2  }
0x45: {  	s0 =	rddreg [dreg:$0x0];
	s2 =	stileid.u32  }
0x46: {  	s1 =	rddreg [dreg:$0x1];
	p0 =	sne.s32 s2, $0x0  }
0x47: {  	s3 =	rddreg [dreg:$0x2];
	[bflag:$0x3] =	sbarrier.arrive $0xFFFF;
	s2 =	simm.s32 @!p0 $0x1C01  }
0x48: {  	[timem:s3], [sflag:s2] =	dma.local @!p0 [hbm:s0], s1  }
0x49: {  	s0 =	simm.s32 @!p0 $0x1  }
0x4a: {  	_ =	swait.ge @!p0 [sflag:s0], s1  }
0x4b: {  	s1 =	ssub.s32 @!p0 $0x0, s1;
	[sflag:s0] =	ssyncset.done @!p0 $0x0  }
0x4c: {  	[sflag:s0] =	ssyncadd.s32 @!p0 s1  }
0x4d: {  	[bflag:$0x3] =	sbarrier.arrive $0xFFFF  }
0x4e: {  	_ =	shalt  }

</sc_bundles>
